<compile_context>
chip_gen: v7x
topology: tpu7x:2x2x1
jax: 0.10.2.dev20260603
libtpu: 0.0.44.dev20260713+nightly
codegen_flags: <defaults>
</compile_context>

<pallas_src>
import functools

import jax
import jax.numpy as jnp
from jax import lax
from jax.experimental import pallas as pl
from jax.experimental.pallas import tpu as pltpu
from jax.experimental.pallas import tpu_sc as plsc

N = 10000
E = 320000
D = 128
H = 8
HD = 16

NP = 8
NX = N + NP
A = E + N
NW = 32
B = 96
NCH = 108
C = NCH * B
A_PAD = NW * C
PAD = A_PAD - A
NA = 10240
TPT = NA // 16
ZR = 128


def _prep_body(x_ref, wc_ref, as_ref, ad_ref, hx_ref, asx_ref, adx_ref, mg_ref):
    hx = jnp.dot(x_ref[:], wc_ref[:], preferred_element_type=jnp.float32)
    a_s = jnp.dot(hx, as_ref[:], preferred_element_type=jnp.float32)
    a_d = jnp.dot(hx, ad_ref[:], preferred_element_type=jnp.float32)
    hx_ref[:] = jnp.concatenate([hx, jnp.zeros((NP, D), jnp.float32)], axis=0)
    neg = jnp.full((NP, 2 * H), -1e30, jnp.float32)
    z = jnp.zeros((N, H), jnp.float32)
    asx_ref[:] = jnp.concatenate(
        [jnp.concatenate([a_s, z], axis=1), neg], axis=0)
    adx_ref[:] = jnp.concatenate(
        [jnp.concatenate([a_d, z], axis=1), jnp.zeros((NP, 2 * H))], axis=0)
    m = jnp.max(a_s, axis=0) + jnp.max(a_d, axis=0)
    mg = jnp.where(m >= 0, m, 0.2 * m)
    mg_ref[:] = jnp.concatenate([mg, mg]).reshape(1, 2 * H)


def _prep(x, w_cat, a_src_m, a_dst_m):
    return pl.pallas_call(
        _prep_body,
        out_shape=[
            jax.ShapeDtypeStruct((NX, D), jnp.float32),
            jax.ShapeDtypeStruct((NX, 2 * H), jnp.float32),
            jax.ShapeDtypeStruct((NX, 2 * H), jnp.float32),
            jax.ShapeDtypeStruct((1, 2 * H), jnp.float32),
        ],
    )(x, w_cat, a_src_m, a_dst_m)


_MESH = plsc.VectorSubcoreMesh(core_axis_name="c", subcore_axis_name="s")


@functools.partial(
    pl.kernel,
    out_type=[
        jax.ShapeDtypeStruct((2, NA, D), jnp.float32),
        jax.ShapeDtypeStruct((2, NA, 2 * H), jnp.float32),
    ],
    mesh=_MESH,
    compiler_params=pltpu.CompilerParams(use_tc_tiling_on_sc=False),
    scratch_types=[
        pltpu.VMEM((NCH, B), jnp.int32),
        pltpu.VMEM((NCH, B), jnp.int32),
        pltpu.VMEM((B, 2 * H), jnp.float32),
        pltpu.VMEM((B, 2 * H), jnp.float32),
        pltpu.VMEM((B, 2 * H), jnp.float32),
        pltpu.VMEM((B, D), jnp.float32),
        pltpu.VMEM((16,), jnp.float32),
        pltpu.SemaphoreType.DMA,
        pltpu.SemaphoreType.DMA,
        pltpu.SemaphoreType.DMA,
        pltpu.VMEM_SHARED((NA, D), jnp.float32),
        pltpu.VMEM_SHARED((NA, 2 * H), jnp.float32),
    ],
)
def _edges(hx_hbm, asx_hbm, adx_hbm, mg_hbm, src_hbm, dst_hbm,
           outp_hbm, denp_hbm,
           srcv, dstv, asb, adb, wb, hxb, mgv, sem1, sem2, sem3,
           out_sh, den_sh):
    cid = lax.axis_index("c")
    sid = lax.axis_index("s")
    wid = sid * 2 + cid

    pltpu.sync_copy(src_hbm.at[wid], srcv)
    pltpu.sync_copy(dst_hbm.at[wid], dstv)
    pltpu.sync_copy(mg_hbm.at[0], mgv)

    z16 = jnp.zeros((16,), jnp.float32)

    def zero_row(i, carry):
        for j in range(D // 16):
            hxb[i, pl.ds(16 * j, 16)] = z16
        wb[i, :] = z16
        return carry

    lax.fori_loop(0, B, zero_row, 0)
    for k in range(TPT // B):
        base = sid * TPT + k * B
        pltpu.sync_copy(hxb, out_sh.at[pl.ds(base, B)])
        pltpu.sync_copy(wb, den_sh.at[pl.ds(base, B)])
    plsc.subcore_barrier()

    mg = mgv[:]

    def chunk(j, carry):
        d1 = pltpu.async_copy(asx_hbm.at[srcv.at[j]], asb, sem1)
        d2 = pltpu.async_copy(adx_hbm.at[dstv.at[j]], adb, sem2)
        d3 = pltpu.async_copy(hx_hbm.at[srcv.at[j]], hxb, sem3)
        d1.wait()
        d2.wait()

        def wrow(i, c2):
            e0 = asb[i, :] + adb[i, :]
            wb[i, :] = jnp.exp(jnp.where(e0 >= 0, e0, 0.2 * e0) - mg)
            return c2

        lax.fori_loop(0, B, wrow, 0)
        pltpu.sync_copy(wb, den_sh.at[dstv.at[j]], add=True)
        d3.wait()

        def scale(i, c2):
            wv = wb[i, :]
            for h in range(H):
                s = wv[h]
                hxb[i, pl.ds(16 * h, 16)] = hxb[i, pl.ds(16 * h, 16)] * s
            return c2

        lax.fori_loop(0, B, scale, 0)
        pltpu.sync_copy(hxb, out_sh.at[dstv.at[j]], add=True)
        return carry

    lax.fori_loop(0, NCH, chunk, 0)
    plsc.subcore_barrier()

    base = sid * TPT
    pltpu.sync_copy(out_sh.at[pl.ds(base, TPT)],
                    outp_hbm.at[cid, pl.ds(base, TPT)])
    pltpu.sync_copy(den_sh.at[pl.ds(base, TPT)],
                    denp_hbm.at[cid, pl.ds(base, TPT)])


def _tail_body(outp_ref, denp_ref, ssel_ref, bias_ref, fcw_ref, fcb_ref,
               g_ref, b_ref, gfcw_ref, gfcb_ref, o_ref):
    num = outp_ref[0, 0:N, :] + outp_ref[1, 0:N, :]
    den8 = denp_ref[0, 0:N, 0:H] + denp_ref[1, 0:N, 0:H]
    d128 = jnp.dot(1.0 / (den8 + 1e-16), ssel_ref[:],
                   preferred_element_type=jnp.float32)
    xl = num * d128 + bias_ref[:]
    t = lax.dot_general(xl, fcw_ref[:], (((1,), (1,)), ((), ())),
                        preferred_element_type=jnp.float32) + fcb_ref[:]
    sa = jnp.where(t >= 0, t, 0.01 * t)
    sa = jnp.exp(sa - jnp.max(sa, axis=-1, keepdims=True))
    sa = sa / jnp.sum(sa, axis=-1, keepdims=True)
    xl = xl * sa
    xl = jnp.where(xl >= 0, xl, 0.2 * xl)
    xl = lax.dot_general(xl, fcw_ref[:], (((1,), (1,)), ((), ())),
                         preferred_element_type=jnp.float32) + fcb_ref[:]
    mu = jnp.mean(xl, axis=-1, keepdims=True)
    var = jnp.mean((xl - mu) ** 2, axis=-1, keepdims=True)
    xl = (xl - mu) / jnp.sqrt(var + 1e-5) * g_ref[:] + b_ref[:]
    nrm = jnp.sqrt(jnp.sum(xl * xl, axis=1, keepdims=True))
    xl = xl / jnp.maximum(nrm, 1e-12)
    xg = jnp.mean(xl, axis=0, keepdims=True)
    ga = lax.dot_general(xg, gfcw_ref[:], (((1,), (1,)), ((), ())),
                         preferred_element_type=jnp.float32) + gfcb_ref[:]
    ga = jnp.maximum(ga, 0.0)
    ga = jnp.exp(ga - jnp.max(ga, axis=-1, keepdims=True))
    ga = ga / jnp.sum(ga, axis=-1, keepdims=True)
    o_ref[:] = xl * ga


def _tail(outp, denp, ssel, bias128, fc_W, fc_b2, g2, b2, gfc_W, gfc_b2):
    return pl.pallas_call(
        _tail_body,
        out_shape=jax.ShapeDtypeStruct((N, D), jnp.float32),
    )(outp, denp, ssel, bias128, fc_W, fc_b2, g2, b2, gfc_W, gfc_b2)


def kernel(x, edge_index, W, att_src, att_dst, conv_bias, fc_W, fc_b,
           ln_gamma, ln_beta, gfc_W, gfc_b):
    f32 = jnp.float32
    w_cat = jnp.transpose(W, (1, 0, 2)).reshape(D, D)
    a_src_m = (jnp.eye(H, dtype=f32)[:, None, :]
               * att_src[:, :, None]).reshape(D, H)
    a_dst_m = (jnp.eye(H, dtype=f32)[:, None, :]
               * att_dst[:, :, None]).reshape(D, H)
    ssel = jnp.repeat(jnp.eye(H, dtype=f32), HD, axis=1)
    bias128 = conv_bias.reshape(1, D)

    loops = jnp.arange(N, dtype=jnp.int32)
    pad_i = jnp.arange(PAD, dtype=jnp.int32)
    src_all = jnp.concatenate(
        [edge_index[0], loops, N + (pad_i % NP)]).reshape(NW, NCH, B)
    dst_all = jnp.concatenate(
        [edge_index[1], loops, pad_i % N]).reshape(NW, NCH, B)

    hx_x, asx, adx, mg2 = _prep(x, w_cat, a_src_m, a_dst_m)
    outp, denp = _edges(hx_x, asx, adx, mg2, src_all, dst_all)
    return _tail(outp, denp, ssel, bias128, fc_W,
                 fc_b.reshape(1, D), ln_gamma.reshape(1, D),
                 ln_beta.reshape(1, D), gfc_W, gfc_b.reshape(1, D))

# --- scband reference (transcript-rebuilt; emitter-appended) ---
"""Pipeline reference for scband-gat-42288247996685 (READ-ONLY COPY).

The authoritative reference and input builder live on the scoring server;
editing this copy changes nothing except your own understanding.
"""

import jax, jax.numpy as jnp
import numpy as np

N = 10000
E = 320000
D = 128
H = 8
HD = 16  # out_channels // num_heads


def setup_inputs(seed: int = 0) -> dict:
    key = jax.random.key(seed)
    ks = jax.random.split(key, 12)
    x = jax.random.normal(ks[0], (N, D), dtype=jnp.float32)
    edge_index = jax.random.randint(ks[1], (2, E), 0, N, dtype=jnp.int32)
    W = jax.random.normal(ks[2], (H, D, HD), dtype=jnp.float32) * 0.08
    att_src = jax.random.normal(ks[3], (H, HD), dtype=jnp.float32) * 0.25
    att_dst = jax.random.normal(ks[4], (H, HD), dtype=jnp.float32) * 0.25
    conv_bias = jnp.zeros((H, HD), dtype=jnp.float32)
    fc_W = jax.random.normal(ks[5], (D, D), dtype=jnp.float32) * 0.08
    fc_b = jnp.zeros((D,), dtype=jnp.float32)
    ln_gamma = jnp.ones((D,), dtype=jnp.float32)
    ln_beta = jnp.zeros((D,), dtype=jnp.float32)
    gfc_W = jax.random.normal(ks[6], (D, D), dtype=jnp.float32) * 0.08
    gfc_b = jnp.zeros((D,), dtype=jnp.float32)
    return {"x": x, "edge_index": edge_index, "W": W, "att_src": att_src,
            "att_dst": att_dst, "conv_bias": conv_bias, "fc_W": fc_W, "fc_b": fc_b,
            "ln_gamma": ln_gamma, "ln_beta": ln_beta, "gfc_W": gfc_W, "gfc_b": gfc_b}


def _leaky(z, slope):
    return jnp.where(z >= 0, z, slope * z)


def _gat_conv(x, src_a, dst_a, W_h, a_src, a_dst, b_h):
    # PyG GATConv (heads=1) with default add_self_loops (loops appended outside)
    hx = x @ W_h  # [N, HD]
    alpha_src = (hx * a_src).sum(-1)  # [N]
    alpha_dst = (hx * a_dst).sum(-1)  # [N]
    e = alpha_src[src_a] + alpha_dst[dst_a]
    e = _leaky(e, 0.2)
    emax = jax.ops.segment_max(e, dst_a, num_segments=N)
    e = jnp.exp(e - emax[dst_a])
    denom = jax.ops.segment_sum(e, dst_a, num_segments=N)
    alpha = e / (denom[dst_a] + 1e-16)
    msg = hx[src_a] * alpha[:, None]
    out = jax.ops.segment_sum(msg, dst_a, num_segments=N)
    return out + b_h


def reference(x, edge_index, W, att_src, att_dst, conv_bias, fc_W, fc_b,
              ln_gamma, ln_beta, gfc_W, gfc_b):
    # dropout is identity in eval mode
    loops = jnp.arange(N, dtype=edge_index.dtype)
    src_a = jnp.concatenate([edge_index[0], loops])
    dst_a = jnp.concatenate([edge_index[1], loops])
    head_outs = [_gat_conv(x, src_a, dst_a, W[h], att_src[h], att_dst[h], conv_bias[h])
                 for h in range(H)]
    x_local = jnp.concatenate(head_outs, axis=-1)  # [N, D]
    self_attention = _leaky(x_local @ fc_W.T + fc_b, 0.01)
    self_attention = jax.nn.softmax(self_attention, axis=-1)
    x_local = x_local * self_attention
    x_local = _leaky(x_local, 0.2)
    x_local = x_local @ fc_W.T + fc_b
    mu = x_local.mean(-1, keepdims=True)
    var = ((x_local - mu) ** 2).mean(-1, keepdims=True)
    x_local = (x_local - mu) / jnp.sqrt(var + 1e-5) * ln_gamma + ln_beta
    nrm = jnp.sqrt((x_local ** 2).sum(axis=1, keepdims=True))
    x_local = x_local / jnp.maximum(nrm, 1e-12)
    x_global = x_local.mean(axis=0)
    global_attention = jax.nn.relu(x_global @ gfc_W.T + gfc_b)
    global_attention = jax.nn.softmax(global_attention, axis=-1)
    return x_local * global_attention

if __name__ == "__main__":
    import jax
    _d = setup_inputs()
    print(jax.jit(kernel)(*tuple(_d.values())))

</pallas_src>

<mosaic_0001>
#map = affine_map<(d0, d1) -> (0, 0)>
#map1 = affine_map<(d0, d1) -> (0, 0, 0)>
module attributes {stable_mosaic.version = 14 : i64} {
  func.func @_edges(%arg0: i32, %arg1: i32, %arg2: memref<10008x128xf32, #tpu.memory_space<hbm>>, %arg3: memref<10008x16xf32, #tpu.memory_space<hbm>>, %arg4: memref<10008x16xf32, #tpu.memory_space<hbm>>, %arg5: memref<1x16xf32, #tpu.memory_space<hbm>>, %arg6: memref<32x108x96xi32, #tpu.memory_space<hbm>>, %arg7: memref<32x108x96xi32, #tpu.memory_space<hbm>>, %arg8: memref<2x10240x128xf32, #tpu.memory_space<hbm>>, %arg9: memref<2x10240x16xf32, #tpu.memory_space<hbm>>, %arg10: memref<108x96xi32, #tpu.memory_space<vmem>>, %arg11: memref<108x96xi32, #tpu.memory_space<vmem>>, %arg12: memref<96x16xf32, #tpu.memory_space<vmem>>, %arg13: memref<96x16xf32, #tpu.memory_space<vmem>>, %arg14: memref<96x16xf32, #tpu.memory_space<vmem>>, %arg15: memref<96x128xf32, #tpu.memory_space<vmem>>, %arg16: memref<16xf32, #tpu.memory_space<vmem>>, %arg17: memref<!tpu.dma_semaphore, #tpu.memory_space<semaphore_mem>>, %arg18: memref<!tpu.dma_semaphore, #tpu.memory_space<semaphore_mem>>, %arg19: memref<!tpu.dma_semaphore, #tpu.memory_space<semaphore_mem>>, %arg20: memref<10240x128xf32, #tpu.memory_space<vmem_shared>>, %arg21: memref<10240x16xf32, #tpu.memory_space<vmem_shared>>) attributes {dimension_semantics = [#tpu.dimension_semantics<core_parallel>, #tpu.dimension_semantics<subcore_parallel>], iteration_bounds = array<i64: 2, 16>, scalar_prefetch = 0 : i64, scratch_operands = 12 : i64, tpu.core_type = #tpu.core_type<sc_vector_subcore>, window_params = [{transform_indices = #map}, {transform_indices = #map}, {transform_indices = #map}, {transform_indices = #map}, {transform_indices = #map1}, {transform_indices = #map1}, {transform_indices = #map1}, {transform_indices = #map1}]} {
    %mul3A = arith.constant 2 : i32
    %mul3A_0 = arith.muli %arg1, %mul3A : i32
    %add3A = arith.addi %mul3A_0, %arg0 : i32
    "tpu.region"() ({
      %run_scoped3A_42 = tpu.sem_alloc : memref<!tpu.dma_semaphore, #tpu.memory_space<semaphore_mem>>
      %dma_start3A = arith.constant 0 : i32
      %dma_start3A_43 = arith.constant 0 : i32
      %dma_start3A_44 = tpu.memref_slice %arg6[%add3A, %dma_start3A, %dma_start3A_43] : memref<32x108x96xi32, #tpu.memory_space<hbm>> -> memref<1x108x96xi32, #tpu.memory_space<hbm>>
      %dma_start3A_45 = tpu.memref_squeeze %dma_start3A_44 : memref<1x108x96xi32, #tpu.memory_space<hbm>> -> memref<108x96xi32, #tpu.memory_space<hbm>>
      %dma_start3A_46 = arith.constant 0 : i32
      %dma_start3A_47 = arith.constant 0 : i32
      %dma_start3A_48 = tpu.memref_slice %arg6[%add3A, %dma_start3A_46, %dma_start3A_47] : memref<32x108x96xi32, #tpu.memory_space<hbm>> -> memref<1x108x96xi32, #tpu.memory_space<hbm>>
      %dma_start3A_49 = tpu.memref_squeeze %dma_start3A_48 : memref<1x108x96xi32, #tpu.memory_space<hbm>> -> memref<108x96xi32, #tpu.memory_space<hbm>>
      tpu.enqueue_dma source(%dma_start3A_49 : memref<108x96xi32, #tpu.memory_space<hbm>>) target(%arg10 : memref<108x96xi32, #tpu.memory_space<vmem>>) target_semaphore(%run_scoped3A_42 : memref<!tpu.dma_semaphore, #tpu.memory_space<semaphore_mem>>)
      %dma_wait3A = arith.constant 0 : i32
      %dma_wait3A_50 = arith.constant 0 : i32
      %dma_wait3A_51 = tpu.memref_slice %arg6[%add3A, %dma_wait3A, %dma_wait3A_50] : memref<32x108x96xi32, #tpu.memory_space<hbm>> -> memref<1x108x96xi32, #tpu.memory_space<hbm>>
      %dma_wait3A_52 = tpu.memref_squeeze %dma_wait3A_51 : memref<1x108x96xi32, #tpu.memory_space<hbm>> -> memref<108x96xi32, #tpu.memory_space<hbm>>
      %dma_wait3A_53 = arith.constant 0 : i32
      %dma_wait3A_54 = arith.constant 0 : i32
      %dma_wait3A_55 = tpu.memref_slice %arg6[%add3A, %dma_wait3A_53, %dma_wait3A_54] : memref<32x108x96xi32, #tpu.memory_space<hbm>> -> memref<1x108x96xi32, #tpu.memory_space<hbm>>
      %dma_wait3A_56 = tpu.memref_squeeze %dma_wait3A_55 : memref<1x108x96xi32, #tpu.memory_space<hbm>> -> memref<108x96xi32, #tpu.memory_space<hbm>>
      tpu.wait_dma2 semaphore(%run_scoped3A_42 : memref<!tpu.dma_semaphore, #tpu.memory_space<semaphore_mem>>) src(%dma_wait3A_56 : memref<108x96xi32, #tpu.memory_space<hbm>>) dst(%arg10 : memref<108x96xi32, #tpu.memory_space<vmem>>)
      tpu.yield
    }) : () -> ()
    "tpu.region"() ({
      %run_scoped3A_42 = tpu.sem_alloc : memref<!tpu.dma_semaphore, #tpu.memory_space<semaphore_mem>>
      %dma_start3A = arith.constant 0 : i32
      %dma_start3A_43 = arith.constant 0 : i32
      %dma_start3A_44 = tpu.memref_slice %arg7[%add3A, %dma_start3A, %dma_start3A_43] : memref<32x108x96xi32, #tpu.memory_space<hbm>> -> memref<1x108x96xi32, #tpu.memory_space<hbm>>
      %dma_start3A_45 = tpu.memref_squeeze %dma_start3A_44 : memref<1x108x96xi32, #tpu.memory_space<hbm>> -> memref<108x96xi32, #tpu.memory_space<hbm>>
      %dma_start3A_46 = arith.constant 0 : i32
      %dma_start3A_47 = arith.constant 0 : i32
      %dma_start3A_48 = tpu.memref_slice %arg7[%add3A, %dma_start3A_46, %dma_start3A_47] : memref<32x108x96xi32, #tpu.memory_space<hbm>> -> memref<1x108x96xi32, #tpu.memory_space<hbm>>
      %dma_start3A_49 = tpu.memref_squeeze %dma_start3A_48 : memref<1x108x96xi32, #tpu.memory_space<hbm>> -> memref<108x96xi32, #tpu.memory_space<hbm>>
      tpu.enqueue_dma source(%dma_start3A_49 : memref<108x96xi32, #tpu.memory_space<hbm>>) target(%arg11 : memref<108x96xi32, #tpu.memory_space<vmem>>) target_semaphore(%run_scoped3A_42 : memref<!tpu.dma_semaphore, #tpu.memory_space<semaphore_mem>>)
      %dma_wait3A = arith.constant 0 : i32
      %dma_wait3A_50 = arith.constant 0 : i32
      %dma_wait3A_51 = tpu.memref_slice %arg7[%add3A, %dma_wait3A, %dma_wait3A_50] : memref<32x108x96xi32, #tpu.memory_space<hbm>> -> memref<1x108x96xi32, #tpu.memory_space<hbm>>
      %dma_wait3A_52 = tpu.memref_squeeze %dma_wait3A_51 : memref<1x108x96xi32, #tpu.memory_space<hbm>> -> memref<108x96xi32, #tpu.memory_space<hbm>>
      %dma_wait3A_53 = arith.constant 0 : i32
      %dma_wait3A_54 = arith.constant 0 : i32
      %dma_wait3A_55 = tpu.memref_slice %arg7[%add3A, %dma_wait3A_53, %dma_wait3A_54] : memref<32x108x96xi32, #tpu.memory_space<hbm>> -> memref<1x108x96xi32, #tpu.memory_space<hbm>>
      %dma_wait3A_56 = tpu.memref_squeeze %dma_wait3A_55 : memref<1x108x96xi32, #tpu.memory_space<hbm>> -> memref<108x96xi32, #tpu.memory_space<hbm>>
      tpu.wait_dma2 semaphore(%run_scoped3A_42 : memref<!tpu.dma_semaphore, #tpu.memory_space<semaphore_mem>>) src(%dma_wait3A_56 : memref<108x96xi32, #tpu.memory_space<hbm>>) dst(%arg11 : memref<108x96xi32, #tpu.memory_space<vmem>>)
      tpu.yield
    }) : () -> ()
    %run_scoped3A = arith.constant 0 : i32
    "tpu.region"() ({
      %run_scoped3A_42 = tpu.sem_alloc : memref<!tpu.dma_semaphore, #tpu.memory_space<semaphore_mem>>
      %dma_start3A = arith.constant 0 : i32
      %dma_start3A_43 = tpu.memref_slice %arg5[%run_scoped3A, %dma_start3A] : memref<1x16xf32, #tpu.memory_space<hbm>> -> memref<1x16xf32, #tpu.memory_space<hbm>>
      %dma_start3A_44 = tpu.memref_squeeze %dma_start3A_43 : memref<1x16xf32, #tpu.memory_space<hbm>> -> memref<16xf32, #tpu.memory_space<hbm>>
      %dma_start3A_45 = arith.constant 0 : i32
      %dma_start3A_46 = tpu.memref_slice %arg5[%run_scoped3A, %dma_start3A_45] : memref<1x16xf32, #tpu.memory_space<hbm>> -> memref<1x16xf32, #tpu.memory_space<hbm>>
      %dma_start3A_47 = tpu.memref_squeeze %dma_start3A_46 : memref<1x16xf32, #tpu.memory_space<hbm>> -> memref<16xf32, #tpu.memory_space<hbm>>
      tpu.enqueue_dma source(%dma_start3A_47 : memref<16xf32, #tpu.memory_space<hbm>>) target(%arg16 : memref<16xf32, #tpu.memory_space<vmem>>) target_semaphore(%run_scoped3A_42 : memref<!tpu.dma_semaphore, #tpu.memory_space<semaphore_mem>>)
      %dma_wait3A = arith.constant 0 : i32
      %dma_wait3A_48 = tpu.memref_slice %arg5[%run_scoped3A, %dma_wait3A] : memref<1x16xf32, #tpu.memory_space<hbm>> -> memref<1x16xf32, #tpu.memory_space<hbm>>
      %dma_wait3A_49 = tpu.memref_squeeze %dma_wait3A_48 : memref<1x16xf32, #tpu.memory_space<hbm>> -> memref<16xf32, #tpu.memory_space<hbm>>
      %dma_wait3A_50 = arith.constant 0 : i32
      %dma_wait3A_51 = tpu.memref_slice %arg5[%run_scoped3A, %dma_wait3A_50] : memref<1x16xf32, #tpu.memory_space<hbm>> -> memref<1x16xf32, #tpu.memory_space<hbm>>
      %dma_wait3A_52 = tpu.memref_squeeze %dma_wait3A_51 : memref<1x16xf32, #tpu.memory_space<hbm>> -> memref<16xf32, #tpu.memory_space<hbm>>
      tpu.wait_dma2 semaphore(%run_scoped3A_42 : memref<!tpu.dma_semaphore, #tpu.memory_space<semaphore_mem>>) src(%dma_wait3A_52 : memref<16xf32, #tpu.memory_space<hbm>>) dst(%arg16 : memref<16xf32, #tpu.memory_space<vmem>>)
      tpu.yield
    }) : () -> ()
    %broadcast_in_dim3A = arith.constant 0.000000e+00 : f32
    %broadcast_in_dim3A_1 = vector.broadcast %broadcast_in_dim3A : f32 to vector<16xf32>
    %scan3A = arith.constant 0 : i32
    %scan3A_2 = arith.constant 0 : i32
    %scan3A_3 = arith.constant 96 : i32
    %scan3A_4 = arith.addi %scan3A_2, %scan3A_3 : i32
    %scan3A_5 = arith.constant 1 : i32
    scf.for %scan3A_42 = %scan3A_2 to %scan3A_4 step %scan3A_5  : i32 {
      %swap3A = arith.index_cast %scan3A_42 : i32 to index
      %swap3A_43 = arith.constant 0 : index
      %swap3A_44 = tpu.vector_load %arg15[%swap3A, %swap3A_43] {strides = array<i32>} : memref<96x128xf32, #tpu.memory_space<vmem>>, vector<1x16xf32>,
      %swap3A_45 = vector.shape_cast %swap3A_44 : vector<1x16xf32> to vector<16xf32>
      %swap3A_46 = vector.shape_cast %broadcast_in_dim3A_1 : vector<16xf32> to vector<1x16xf32>
      tpu.vector_store %arg15[%swap3A, %swap3A_43], %swap3A_46 {strides = array<i32>} : memref<96x128xf32, #tpu.memory_space<vmem>>, vector<1x16xf32>,
      %swap3A_47 = arith.index_cast %scan3A_42 : i32 to index
      %swap3A_48 = arith.constant 16 : index
      %swap3A_49 = tpu.vector_load %arg15[%swap3A_47, %swap3A_48] {strides = array<i32>} : memref<96x128xf32, #tpu.memory_space<vmem>>, vector<1x16xf32>,
      %swap3A_50 = vector.shape_cast %swap3A_49 : vector<1x16xf32> to vector<16xf32>
      %swap3A_51 = vector.shape_cast %broadcast_in_dim3A_1 : vector<16xf32> to vector<1x16xf32>
      tpu.vector_store %arg15[%swap3A_47, %swap3A_48], %swap3A_51 {strides = array<i32>} : memref<96x128xf32, #tpu.memory_space<vmem>>, vector<1x16xf32>,
      %swap3A_52 = arith.index_cast %scan3A_42 : i32 to index
      %swap3A_53 = arith.constant 32 : index
      %swap3A_54 = tpu.vector_load %arg15[%swap3A_52, %swap3A_53] {strides = array<i32>} : memref<96x128xf32, #tpu.memory_space<vmem>>, vector<1x16xf32>,
      %swap3A_55 = vector.shape_cast %swap3A_54 : vector<1x16xf32> to vector<16xf32>
      %swap3A_56 = vector.shape_cast %broadcast_in_dim3A_1 : vector<16xf32> to vector<1x16xf32>
      tpu.vector_store %arg15[%swap3A_52, %swap3A_53], %swap3A_56 {strides = array<i32>} : memref<96x128xf32, #tpu.memory_space<vmem>>, vector<1x16xf32>,
      %swap3A_57 = arith.index_cast %scan3A_42 : i32 to index
      %swap3A_58 = arith.constant 48 : index
      %swap3A_59 = tpu.vector_load %arg15[%swap3A_57, %swap3A_58] {strides = array<i32>} : memref<96x128xf32, #tpu.memory_space<vmem>>, vector<1x16xf32>,
      %swap3A_60 = vector.shape_cast %swap3A_59 : vector<1x16xf32> to vector<16xf32>
      %swap3A_61 = vector.shape_cast %broadcast_in_dim3A_1 : vector<16xf32> to vector<1x16xf32>
      tpu.vector_store %arg15[%swap3A_57, %swap3A_58], %swap3A_61 {strides = array<i32>} : memref<96x128xf32, #tpu.memory_space<vmem>>, vector<1x16xf32>,
      %swap3A_62 = arith.index_cast %scan3A_42 : i32 to index
      %swap3A_63 = arith.constant 64 : index
      %swap3A_64 = tpu.vector_load %arg15[%swap3A_62, %swap3A_63] {strides = array<i32>} : memref<96x128xf32, #tpu.memory_space<vmem>>, vector<1x16xf32>,
      %swap3A_65 = vector.shape_cast %swap3A_64 : vector<1x16xf32> to vector<16xf32>
      %swap3A_66 = vector.shape_cast %broadcast_in_dim3A_1 : vector<16xf32> to vector<1x16xf32>
      tpu.vector_store %arg15[%swap3A_62, %swap3A_63], %swap3A_66 {strides = array<i32>} : memref<96x128xf32, #tpu.memory_space<vmem>>, vector<1x16xf32>,
      %swap3A_67 = arith.index_cast %scan3A_42 : i32 to index
      %swap3A_68 = arith.constant 80 : index
      %swap3A_69 = tpu.vector_load %arg15[%swap3A_67, %swap3A_68] {strides = array<i32>} : memref<96x128xf32, #tpu.memory_space<vmem>>, vector<1x16xf32>,
      %swap3A_70 = vector.shape_cast %swap3A_69 : vector<1x16xf32> to vector<16xf32>
      %swap3A_71 = vector.shape_cast %broadcast_in_dim3A_1 : vector<16xf32> to vector<1x16xf32>
      tpu.vector_store %arg15[%swap3A_67, %swap3A_68], %swap3A_71 {strides = array<i32>} : memref<96x128xf32, #tpu.memory_space<vmem>>, vector<1x16xf32>,
      %swap3A_72 = arith.index_cast %scan3A_42 : i32 to index
      %swap3A_73 = arith.constant 96 : index
      %swap3A_74 = tpu.vector_load %arg15[%swap3A_72, %swap3A_73] {strides = array<i32>} : memref<96x128xf32, #tpu.memory_space<vmem>>, vector<1x16xf32>,
      %swap3A_75 = vector.shape_cast %swap3A_74 : vector<1x16xf32> to vector<16xf32>
      %swap3A_76 = vector.shape_cast %broadcast_in_dim3A_1 : vector<16xf32> to vector<1x16xf32>
      tpu.vector_store %arg15[%swap3A_72, %swap3A_73], %swap3A_76 {strides = array<i32>} : memref<96x128xf32, #tpu.memory_space<vmem>>, vector<1x16xf32>,
      %swap3A_77 = arith.index_cast %scan3A_42 : i32 to index
      %swap3A_78 = arith.constant 112 : index
      %swap3A_79 = tpu.vector_load %arg15[%swap3A_77, %swap3A_78] {strides = array<i32>} : memref<96x128xf32, #tpu.memory_space<vmem>>, vector<1x16xf32>,
      %swap3A_80 = vector.shape_cast %swap3A_79 : vector<1x16xf32> to vector<16xf32>
      %swap3A_81 = vector.shape_cast %broadcast_in_dim3A_1 : vector<16xf32> to vector<1x16xf32>
      tpu.vector_store %arg15[%swap3A_77, %swap3A_78], %swap3A_81 {strides = array<i32>} : memref<96x128xf32, #tpu.memory_space<vmem>>, vector<1x16xf32>,
      %swap3A_82 = arith.index_cast %scan3A_42 : i32 to index
      %swap3A_83 = arith.constant 0 : index
      %swap3A_84 = tpu.vector_load %arg14[%swap3A_82, %swap3A_83] {strides = array<i32>} : memref<96x16xf32, #tpu.memory_space<vmem>>, vector<1x16xf32>,
      %swap3A_85 = vector.shape_cast %swap3A_84 : vector<1x16xf32> to vector<16xf32>
      %swap3A_86 = vector.shape_cast %broadcast_in_dim3A_1 : vector<16xf32> to vector<1x16xf32>
      tpu.vector_store %arg14[%swap3A_82, %swap3A_83], %swap3A_86 {strides = array<i32>} : memref<96x16xf32, #tpu.memory_space<vmem>>, vector<1x16xf32>,
    }
    %scan3A_6 = arith.constant 96 : i32
    %mul3A_7 = arith.constant 640 : i32
    %mul3A_8 = arith.muli %arg1, %mul3A_7 : i32
    %add3A_9 = arith.constant 0 : i32
    %add3A_10 = arith.addi %mul3A_8, %add3A_9 : i32
    "tpu.region"() ({
      %run_scoped3A_42 = tpu.sem_alloc : memref<!tpu.dma_semaphore, #tpu.memory_space<semaphore_mem>>
      %dma_start3A = arith.constant 0 : i32
      %dma_start3A_43 = tpu.memref_slice %arg20[%add3A_10, %dma_start3A] : memref<10240x128xf32, #tpu.memory_space<vmem_shared>> -> memref<96x128xf32, #tpu.memory_space<vmem_shared>>
      %dma_start3A_44 = arith.constant 0 : i32
      %dma_start3A_45 = tpu.memref_slice %arg20[%add3A_10, %dma_start3A_44] : memref<10240x128xf32, #tpu.memory_space<vmem_shared>> -> memref<96x128xf32, #tpu.memory_space<vmem_shared>>
      tpu.enqueue_dma source(%arg15 : memref<96x128xf32, #tpu.memory_space<vmem>>) target(%dma_start3A_45 : memref<96x128xf32, #tpu.memory_space<vmem_shared>>) target_semaphore(%run_scoped3A_42 : memref<!tpu.dma_semaphore, #tpu.memory_space<semaphore_mem>>)
      %dma_wait3A = arith.constant 0 : i32
      %dma_wait3A_46 = tpu.memref_slice %arg20[%add3A_10, %dma_wait3A] : memref<10240x128xf32, #tpu.memory_space<vmem_shared>> -> memref<96x128xf32, #tpu.memory_space<vmem_shared>>
      %dma_wait3A_47 = arith.constant 0 : i32
      %dma_wait3A_48 = tpu.memref_slice %arg20[%add3A_10, %dma_wait3A_47] : memref<10240x128xf32, #tpu.memory_space<vmem_shared>> -> memref<96x128xf32, #tpu.memory_space<vmem_shared>>
      tpu.wait_dma2 semaphore(%run_scoped3A_42 : memref<!tpu.dma_semaphore, #tpu.memory_space<semaphore_mem>>) src(%arg15 : memref<96x128xf32, #tpu.memory_space<vmem>>) dst(%dma_wait3A_48 : memref<96x128xf32, #tpu.memory_space<vmem_shared>>)
      tpu.yield
    }) : () -> ()
    "tpu.region"() ({
      %run_scoped3A_42 = tpu.sem_alloc : memref<!tpu.dma_semaphore, #tpu.memory_space<semaphore_mem>>
      %dma_start3A = arith.constant 0 : i32
      %dma_start3A_43 = tpu.memref_slice %arg21[%add3A_10, %dma_start3A] : memref<10240x16xf32, #tpu.memory_space<vmem_shared>> -> memref<96x16xf32, #tpu.memory_space<vmem_shared>>
      %dma_start3A_44 = arith.constant 0 : i32
      %dma_start3A_45 = tpu.memref_slice %arg21[%add3A_10, %dma_start3A_44] : memref<10240x16xf32, #tpu.memory_space<vmem_shared>> -> memref<96x16xf32, #tpu.memory_space<vmem_shared>>
      tpu.enqueue_dma source(%arg14 : memref<96x16xf32, #tpu.memory_space<vmem>>) target(%dma_start3A_45 : memref<96x16xf32, #tpu.memory_space<vmem_shared>>) target_semaphore(%run_scoped3A_42 : memref<!tpu.dma_semaphore, #tpu.memory_space<semaphore_mem>>)
      %dma_wait3A = arith.constant 0 : i32
      %dma_wait3A_46 = tpu.memref_slice %arg21[%add3A_10, %dma_wait3A] : memref<10240x16xf32, #tpu.memory_space<vmem_shared>> -> memref<96x16xf32, #tpu.memory_space<vmem_shared>>
      %dma_wait3A_47 = arith.constant 0 : i32
      %dma_wait3A_48 = tpu.memref_slice %arg21[%add3A_10, %dma_wait3A_47] : memref<10240x16xf32, #tpu.memory_space<vmem_shared>> -> memref<96x16xf32, #tpu.memory_space<vmem_shared>>
      tpu.wait_dma2 semaphore(%run_scoped3A_42 : memref<!tpu.dma_semaphore, #tpu.memory_space<semaphore_mem>>) src(%arg14 : memref<96x16xf32, #tpu.memory_space<vmem>>) dst(%dma_wait3A_48 : memref<96x16xf32, #tpu.memory_space<vmem_shared>>)
      tpu.yield
    }) : () -> ()
    %mul3A_11 = arith.constant 640 : i32
    %mul3A_12 = arith.muli %arg1, %mul3A_11 : i32
    %add3A_13 = arith.constant 96 : i32
    %add3A_14 = arith.addi %mul3A_12, %add3A_13 : i32
    "tpu.region"() ({
      %run_scoped3A_42 = tpu.sem_alloc : memref<!tpu.dma_semaphore, #tpu.memory_space<semaphore_mem>>
      %dma_start3A = arith.constant 0 : i32
      %dma_start3A_43 = tpu.memref_slice %arg20[%add3A_14, %dma_start3A] : memref<10240x128xf32, #tpu.memory_space<vmem_shared>> -> memref<96x128xf32, #tpu.memory_space<vmem_shared>>
      %dma_start3A_44 = arith.constant 0 : i32
      %dma_start3A_45 = tpu.memref_slice %arg20[%add3A_14, %dma_start3A_44] : memref<10240x128xf32, #tpu.memory_space<vmem_shared>> -> memref<96x128xf32, #tpu.memory_space<vmem_shared>>
      tpu.enqueue_dma source(%arg15 : memref<96x128xf32, #tpu.memory_space<vmem>>) target(%dma_start3A_45 : memref<96x128xf32, #tpu.memory_space<vmem_shared>>) target_semaphore(%run_scoped3A_42 : memref<!tpu.dma_semaphore, #tpu.memory_space<semaphore_mem>>)
      %dma_wait3A = arith.constant 0 : i32
      %dma_wait3A_46 = tpu.memref_slice %arg20[%add3A_14, %dma_wait3A] : memref<10240x128xf32, #tpu.memory_space<vmem_shared>> -> memref<96x128xf32, #tpu.memory_space<vmem_shared>>
      %dma_wait3A_47 = arith.constant 0 : i32
      %dma_wait3A_48 = tpu.memref_slice %arg20[%add3A_14, %dma_wait3A_47] : memref<10240x128xf32, #tpu.memory_space<vmem_shared>> -> memref<96x128xf32, #tpu.memory_space<vmem_shared>>
      tpu.wait_dma2 semaphore(%run_scoped3A_42 : memref<!tpu.dma_semaphore, #tpu.memory_space<semaphore_mem>>) src(%arg15 : memref<96x128xf32, #tpu.memory_space<vmem>>) dst(%dma_wait3A_48 : memref<96x128xf32, #tpu.memory_space<vmem_shared>>)
      tpu.yield
    }) : () -> ()
    "tpu.region"() ({
      %run_scoped3A_42 = tpu.sem_alloc : memref<!tpu.dma_semaphore, #tpu.memory_space<semaphore_mem>>
      %dma_start3A = arith.constant 0 : i32
      %dma_start3A_43 = tpu.memref_slice %arg21[%add3A_14, %dma_start3A] : memref<10240x16xf32, #tpu.memory_space<vmem_shared>> -> memref<96x16xf32, #tpu.memory_space<vmem_shared>>
      %dma_start3A_44 = arith.constant 0 : i32
      %dma_start3A_45 = tpu.memref_slice %arg21[%add3A_14, %dma_start3A_44] : memref<10240x16xf32, #tpu.memory_space<vmem_shared>> -> memref<96x16xf32, #tpu.memory_space<vmem_shared>>
      tpu.enqueue_dma source(%arg14 : memref<96x16xf32, #tpu.memory_space<vmem>>) target(%dma_start3A_45 : memref<96x16xf32, #tpu.memory_space<vmem_shared>>) target_semaphore(%run_scoped3A_42 : memref<!tpu.dma_semaphore, #tpu.memory_space<semaphore_mem>>)
      %dma_wait3A = arith.constant 0 : i32
      %dma_wait3A_46 = tpu.memref_slice %arg21[%add3A_14, %dma_wait3A] : memref<10240x16xf32, #tpu.memory_space<vmem_shared>> -> memref<96x16xf32, #tpu.memory_space<vmem_shared>>
      %dma_wait3A_47 = arith.constant 0 : i32
      %dma_wait3A_48 = tpu.memref_slice %arg21[%add3A_14, %dma_wait3A_47] : memref<10240x16xf32, #tpu.memory_space<vmem_shared>> -> memref<96x16xf32, #tpu.memory_space<vmem_shared>>
      tpu.wait_dma2 semaphore(%run_scoped3A_42 : memref<!tpu.dma_semaphore, #tpu.memory_space<semaphore_mem>>) src(%arg14 : memref<96x16xf32, #tpu.memory_space<vmem>>) dst(%dma_wait3A_48 : memref<96x16xf32, #tpu.memory_space<vmem_shared>>)
      tpu.yield
    }) : () -> ()
    %mul3A_15 = arith.constant 640 : i32
    %mul3A_16 = arith.muli %arg1, %mul3A_15 : i32
    %add3A_17 = arith.constant 192 : i32
    %add3A_18 = arith.addi %mul3A_16, %add3A_17 : i32
    "tpu.region"() ({
      %run_scoped3A_42 = tpu.sem_alloc : memref<!tpu.dma_semaphore, #tpu.memory_space<semaphore_mem>>
      %dma_start3A = arith.constant 0 : i32
      %dma_start3A_43 = tpu.memref_slice %arg20[%add3A_18, %dma_start3A] : memref<10240x128xf32, #tpu.memory_space<vmem_shared>> -> memref<96x128xf32, #tpu.memory_space<vmem_shared>>
      %dma_start3A_44 = arith.constant 0 : i32
      %dma_start3A_45 = tpu.memref_slice %arg20[%add3A_18, %dma_start3A_44] : memref<10240x128xf32, #tpu.memory_space<vmem_shared>> -> memref<96x128xf32, #tpu.memory_space<vmem_shared>>
      tpu.enqueue_dma source(%arg15 : memref<96x128xf32, #tpu.memory_space<vmem>>) target(%dma_start3A_45 : memref<96x128xf32, #tpu.memory_space<vmem_shared>>) target_semaphore(%run_scoped3A_42 : memref<!tpu.dma_semaphore, #tpu.memory_space<semaphore_mem>>)
      %dma_wait3A = arith.constant 0 : i32
      %dma_wait3A_46 = tpu.memref_slice %arg20[%add3A_18, %dma_wait3A] : memref<10240x128xf32, #tpu.memory_space<vmem_shared>> -> memref<96x128xf32, #tpu.memory_space<vmem_shared>>
      %dma_wait3A_47 = arith.constant 0 : i32
      %dma_wait3A_48 = tpu.memref_slice %arg20[%add3A_18, %dma_wait3A_47] : memref<10240x128xf32, #tpu.memory_space<vmem_shared>> -> memref<96x128xf32, #tpu.memory_space<vmem_shared>>
      tpu.wait_dma2 semaphore(%run_scoped3A_42 : memref<!tpu.dma_semaphore, #tpu.memory_space<semaphore_mem>>) src(%arg15 : memref<96x128xf32, #tpu.memory_space<vmem>>) dst(%dma_wait3A_48 : memref<96x128xf32, #tpu.memory_space<vmem_shared>>)
      tpu.yield
    }) : () -> ()
    "tpu.region"() ({
      %run_scoped3A_42 = tpu.sem_alloc : memref<!tpu.dma_semaphore, #tpu.memory_space<semaphore_mem>>
      %dma_start3A = arith.constant 0 : i32
      %dma_start3A_43 = tpu.memref_slice %arg21[%add3A_18, %dma_start3A] : memref<10240x16xf32, #tpu.memory_space<vmem_shared>> -> memref<96x16xf32, #tpu.memory_space<vmem_shared>>
      %dma_start3A_44 = arith.constant 0 : i32
      %dma_start3A_45 = tpu.memref_slice %arg21[%add3A_18, %dma_start3A_44] : memref<10240x16xf32, #tpu.memory_space<vmem_shared>> -> memref<96x16xf32, #tpu.memory_space<vmem_shared>>
      tpu.enqueue_dma source(%arg14 : memref<96x16xf32, #tpu.memory_space<vmem>>) target(%dma_start3A_45 : memref<96x16xf32, #tpu.memory_space<vmem_shared>>) target_semaphore(%run_scoped3A_42 : memref<!tpu.dma_semaphore, #tpu.memory_space<semaphore_mem>>)
      %dma_wait3A = arith.constant 0 : i32
      %dma_wait3A_46 = tpu.memref_slice %arg21[%add3A_18, %dma_wait3A] : memref<10240x16xf32, #tpu.memory_space<vmem_shared>> -> memref<96x16xf32, #tpu.memory_space<vmem_shared>>
      %dma_wait3A_47 = arith.constant 0 : i32
      %dma_wait3A_48 = tpu.memref_slice %arg21[%add3A_18, %dma_wait3A_47] : memref<10240x16xf32, #tpu.memory_space<vmem_shared>> -> memref<96x16xf32, #tpu.memory_space<vmem_shared>>
      tpu.wait_dma2 semaphore(%run_scoped3A_42 : memref<!tpu.dma_semaphore, #tpu.memory_space<semaphore_mem>>) src(%arg14 : memref<96x16xf32, #tpu.memory_space<vmem>>) dst(%dma_wait3A_48 : memref<96x16xf32, #tpu.memory_space<vmem_shared>>)
      tpu.yield
    }) : () -> ()
    %mul3A_19 = arith.constant 640 : i32
    %mul3A_20 = arith.muli %arg1, %mul3A_19 : i32
    %add3A_21 = arith.constant 288 : i32
    %add3A_22 = arith.addi %mul3A_20, %add3A_21 : i32
    "tpu.region"() ({
      %run_scoped3A_42 = tpu.sem_alloc : memref<!tpu.dma_semaphore, #tpu.memory_space<semaphore_mem>>
      %dma_start3A = arith.constant 0 : i32
      %dma_start3A_43 = tpu.memref_slice %arg20[%add3A_22, %dma_start3A] : memref<10240x128xf32, #tpu.memory_space<vmem_shared>> -> memref<96x128xf32, #tpu.memory_space<vmem_shared>>
      %dma_start3A_44 = arith.constant 0 : i32
      %dma_start3A_45 = tpu.memref_slice %arg20[%add3A_22, %dma_start3A_44] : memref<10240x128xf32, #tpu.memory_space<vmem_shared>> -> memref<96x128xf32, #tpu.memory_space<vmem_shared>>
      tpu.enqueue_dma source(%arg15 : memref<96x128xf32, #tpu.memory_space<vmem>>) target(%dma_start3A_45 : memref<96x128xf32, #tpu.memory_space<vmem_shared>>) target_semaphore(%run_scoped3A_42 : memref<!tpu.dma_semaphore, #tpu.memory_space<semaphore_mem>>)
      %dma_wait3A = arith.constant 0 : i32
      %dma_wait3A_46 = tpu.memref_slice %arg20[%add3A_22, %dma_wait3A] : memref<10240x128xf32, #tpu.memory_space<vmem_shared>> -> memref<96x128xf32, #tpu.memory_space<vmem_shared>>
      %dma_wait3A_47 = arith.constant 0 : i32
      %dma_wait3A_48 = tpu.memref_slice %arg20[%add3A_22, %dma_wait3A_47] : memref<10240x128xf32, #tpu.memory_space<vmem_shared>> -> memref<96x128xf32, #tpu.memory_space<vmem_shared>>
      tpu.wait_dma2 semaphore(%run_scoped3A_42 : memref<!tpu.dma_semaphore, #tpu.memory_space<semaphore_mem>>) src(%arg15 : memref<96x128xf32, #tpu.memory_space<vmem>>) dst(%dma_wait3A_48 : memref<96x128xf32, #tpu.memory_space<vmem_shared>>)
      tpu.yield
    }) : () -> ()
    "tpu.region"() ({
      %run_scoped3A_42 = tpu.sem_alloc : memref<!tpu.dma_semaphore, #tpu.memory_space<semaphore_mem>>
      %dma_start3A = arith.constant 0 : i32
      %dma_start3A_43 = tpu.memref_slice %arg21[%add3A_22, %dma_start3A] : memref<10240x16xf32, #tpu.memory_space<vmem_shared>> -> memref<96x16xf32, #tpu.memory_space<vmem_shared>>
      %dma_start3A_44 = arith.constant 0 : i32
      %dma_start3A_45 = tpu.memref_slice %arg21[%add3A_22, %dma_start3A_44] : memref<10240x16xf32, #tpu.memory_space<vmem_shared>> -> memref<96x16xf32, #tpu.memory_space<vmem_shared>>
      tpu.enqueue_dma source(%arg14 : memref<96x16xf32, #tpu.memory_space<vmem>>) target(%dma_start3A_45 : memref<96x16xf32, #tpu.memory_space<vmem_shared>>) target_semaphore(%run_scoped3A_42 : memref<!tpu.dma_semaphore, #tpu.memory_space<semaphore_mem>>)
      %dma_wait3A = arith.constant 0 : i32
      %dma_wait3A_46 = tpu.memref_slice %arg21[%add3A_22, %dma_wait3A] : memref<10240x16xf32, #tpu.memory_space<vmem_shared>> -> memref<96x16xf32, #tpu.memory_space<vmem_shared>>
      %dma_wait3A_47 = arith.constant 0 : i32
      %dma_wait3A_48 = tpu.memref_slice %arg21[%add3A_22, %dma_wait3A_47] : memref<10240x16xf32, #tpu.memory_space<vmem_shared>> -> memref<96x16xf32, #tpu.memory_space<vmem_shared>>
      tpu.wait_dma2 semaphore(%run_scoped3A_42 : memref<!tpu.dma_semaphore, #tpu.memory_space<semaphore_mem>>) src(%arg14 : memref<96x16xf32, #tpu.memory_space<vmem>>) dst(%dma_wait3A_48 : memref<96x16xf32, #tpu.memory_space<vmem_shared>>)
      tpu.yield
    }) : () -> ()
    %mul3A_23 = arith.constant 640 : i32
    %mul3A_24 = arith.muli %arg1, %mul3A_23 : i32
    %add3A_25 = arith.constant 384 : i32
    %add3A_26 = arith.addi %mul3A_24, %add3A_25 : i32
    "tpu.region"() ({
      %run_scoped3A_42 = tpu.sem_alloc : memref<!tpu.dma_semaphore, #tpu.memory_space<semaphore_mem>>
      %dma_start3A = arith.constant 0 : i32
      %dma_start3A_43 = tpu.memref_slice %arg20[%add3A_26, %dma_start3A] : memref<10240x128xf32, #tpu.memory_space<vmem_shared>> -> memref<96x128xf32, #tpu.memory_space<vmem_shared>>
      %dma_start3A_44 = arith.constant 0 : i32
      %dma_start3A_45 = tpu.memref_slice %arg20[%add3A_26, %dma_start3A_44] : memref<10240x128xf32, #tpu.memory_space<vmem_shared>> -> memref<96x128xf32, #tpu.memory_space<vmem_shared>>
      tpu.enqueue_dma source(%arg15 : memref<96x128xf32, #tpu.memory_space<vmem>>) target(%dma_start3A_45 : memref<96x128xf32, #tpu.memory_space<vmem_shared>>) target_semaphore(%run_scoped3A_42 : memref<!tpu.dma_semaphore, #tpu.memory_space<semaphore_mem>>)
      %dma_wait3A = arith.constant 0 : i32
      %dma_wait3A_46 = tpu.memref_slice %arg20[%add3A_26, %dma_wait3A] : memref<10240x128xf32, #tpu.memory_space<vmem_shared>> -> memref<96x128xf32, #tpu.memory_space<vmem_shared>>
      %dma_wait3A_47 = arith.constant 0 : i32
      %dma_wait3A_48 = tpu.memref_slice %arg20[%add3A_26, %dma_wait3A_47] : memref<10240x128xf32, #tpu.memory_space<vmem_shared>> -> memref<96x128xf32, #tpu.memory_space<vmem_shared>>
      tpu.wait_dma2 semaphore(%run_scoped3A_42 : memref<!tpu.dma_semaphore, #tpu.memory_space<semaphore_mem>>) src(%arg15 : memref<96x128xf32, #tpu.memory_space<vmem>>) dst(%dma_wait3A_48 : memref<96x128xf32, #tpu.memory_space<vmem_shared>>)
      tpu.yield
    }) : () -> ()
    "tpu.region"() ({
      %run_scoped3A_42 = tpu.sem_alloc : memref<!tpu.dma_semaphore, #tpu.memory_space<semaphore_mem>>
      %dma_start3A = arith.constant 0 : i32
      %dma_start3A_43 = tpu.memref_slice %arg21[%add3A_26, %dma_start3A] : memref<10240x16xf32, #tpu.memory_space<vmem_shared>> -> memref<96x16xf32, #tpu.memory_space<vmem_shared>>
      %dma_start3A_44 = arith.constant 0 : i32
      %dma_start3A_45 = tpu.memref_slice %arg21[%add3A_26, %dma_start3A_44] : memref<10240x16xf32, #tpu.memory_space<vmem_shared>> -> memref<96x16xf32, #tpu.memory_space<vmem_shared>>
      tpu.enqueue_dma source(%arg14 : memref<96x16xf32, #tpu.memory_space<vmem>>) target(%dma_start3A_45 : memref<96x16xf32, #tpu.memory_space<vmem_shared>>) target_semaphore(%run_scoped3A_42 : memref<!tpu.dma_semaphore, #tpu.memory_space<semaphore_mem>>)
      %dma_wait3A = arith.constant 0 : i32
      %dma_wait3A_46 = tpu.memref_slice %arg21[%add3A_26, %dma_wait3A] : memref<10240x16xf32, #tpu.memory_space<vmem_shared>> -> memref<96x16xf32, #tpu.memory_space<vmem_shared>>
      %dma_wait3A_47 = arith.constant 0 : i32
      %dma_wait3A_48 = tpu.memref_slice %arg21[%add3A_26, %dma_wait3A_47] : memref<10240x16xf32, #tpu.memory_space<vmem_shared>> -> memref<96x16xf32, #tpu.memory_space<vmem_shared>>
      tpu.wait_dma2 semaphore(%run_scoped3A_42 : memref<!tpu.dma_semaphore, #tpu.memory_space<semaphore_mem>>) src(%arg14 : memref<96x16xf32, #tpu.memory_space<vmem>>) dst(%dma_wait3A_48 : memref<96x16xf32, #tpu.memory_space<vmem_shared>>)
      tpu.yield
    }) : () -> ()
    %mul3A_27 = arith.constant 640 : i32
    %mul3A_28 = arith.muli %arg1, %mul3A_27 : i32
    %add3A_29 = arith.constant 480 : i32
    %add3A_30 = arith.addi %mul3A_28, %add3A_29 : i32
    "tpu.region"() ({
      %run_scoped3A_42 = tpu.sem_alloc : memref<!tpu.dma_semaphore, #tpu.memory_space<semaphore_mem>>
      %dma_start3A = arith.constant 0 : i32
      %dma_start3A_43 = tpu.memref_slice %arg20[%add3A_30, %dma_start3A] : memref<10240x128xf32, #tpu.memory_space<vmem_shared>> -> memref<96x128xf32, #tpu.memory_space<vmem_shared>>
      %dma_start3A_44 = arith.constant 0 : i32
      %dma_start3A_45 = tpu.memref_slice %arg20[%add3A_30, %dma_start3A_44] : memref<10240x128xf32, #tpu.memory_space<vmem_shared>> -> memref<96x128xf32, #tpu.memory_space<vmem_shared>>
      tpu.enqueue_dma source(%arg15 : memref<96x128xf32, #tpu.memory_space<vmem>>) target(%dma_start3A_45 : memref<96x128xf32, #tpu.memory_space<vmem_shared>>) target_semaphore(%run_scoped3A_42 : memref<!tpu.dma_semaphore, #tpu.memory_space<semaphore_mem>>)
      %dma_wait3A = arith.constant 0 : i32
      %dma_wait3A_46 = tpu.memref_slice %arg20[%add3A_30, %dma_wait3A] : memref<10240x128xf32, #tpu.memory_space<vmem_shared>> -> memref<96x128xf32, #tpu.memory_space<vmem_shared>>
      %dma_wait3A_47 = arith.constant 0 : i32
      %dma_wait3A_48 = tpu.memref_slice %arg20[%add3A_30, %dma_wait3A_47] : memref<10240x128xf32, #tpu.memory_space<vmem_shared>> -> memref<96x128xf32, #tpu.memory_space<vmem_shared>>
      tpu.wait_dma2 semaphore(%run_scoped3A_42 : memref<!tpu.dma_semaphore, #tpu.memory_space<semaphore_mem>>) src(%arg15 : memref<96x128xf32, #tpu.memory_space<vmem>>) dst(%dma_wait3A_48 : memref<96x128xf32, #tpu.memory_space<vmem_shared>>)
      tpu.yield
    }) : () -> ()
    "tpu.region"() ({
      %run_scoped3A_42 = tpu.sem_alloc : memref<!tpu.dma_semaphore, #tpu.memory_space<semaphore_mem>>
      %dma_start3A = arith.constant 0 : i32
      %dma_start3A_43 = tpu.memref_slice %arg21[%add3A_30, %dma_start3A] : memref<10240x16xf32, #tpu.memory_space<vmem_shared>> -> memref<96x16xf32, #tpu.memory_space<vmem_shared>>
      %dma_start3A_44 = arith.constant 0 : i32
      %dma_start3A_45 = tpu.memref_slice %arg21[%add3A_30, %dma_start3A_44] : memref<10240x16xf32, #tpu.memory_space<vmem_shared>> -> memref<96x16xf32, #tpu.memory_space<vmem_shared>>
      tpu.enqueue_dma source(%arg14 : memref<96x16xf32, #tpu.memory_space<vmem>>) target(%dma_start3A_45 : memref<96x16xf32, #tpu.memory_space<vmem_shared>>) target_semaphore(%run_scoped3A_42 : memref<!tpu.dma_semaphore, #tpu.memory_space<semaphore_mem>>)
      %dma_wait3A = arith.constant 0 : i32
      %dma_wait3A_46 = tpu.memref_slice %arg21[%add3A_30, %dma_wait3A] : memref<10240x16xf32, #tpu.memory_space<vmem_shared>> -> memref<96x16xf32, #tpu.memory_space<vmem_shared>>
      %dma_wait3A_47 = arith.constant 0 : i32
      %dma_wait3A_48 = tpu.memref_slice %arg21[%add3A_30, %dma_wait3A_47] : memref<10240x16xf32, #tpu.memory_space<vmem_shared>> -> memref<96x16xf32, #tpu.memory_space<vmem_shared>>
      tpu.wait_dma2 semaphore(%run_scoped3A_42 : memref<!tpu.dma_semaphore, #tpu.memory_space<semaphore_mem>>) src(%arg14 : memref<96x16xf32, #tpu.memory_space<vmem>>) dst(%dma_wait3A_48 : memref<96x16xf32, #tpu.memory_space<vmem_shared>>)
      tpu.yield
    }) : () -> ()
    %barrier3A = arith.constant 0 : index
    tpu.barrier barrier_id(%barrier3A)
    %get3A = arith.constant 0 : index
    %get3A_31 = tpu.vector_load %arg16[%get3A] {strides = array<i32>} : memref<16xf32, #tpu.memory_space<vmem>>, vector<16xf32>,
    %get3A_32 = vector.shape_cast %get3A_31 : vector<16xf32> to vector<16xf32>
    %scan3A_33 = arith.constant 0 : i32
    %scan3A_34 = arith.constant 0 : i32
    %scan3A_35 = arith.constant 108 : i32
    %scan3A_36 = arith.addi %scan3A_34, %scan3A_35 : i32
    %scan3A_37 = arith.constant 1 : i32
    scf.for %scan3A_42 = %scan3A_34 to %scan3A_36 step %scan3A_37  : i32 {
      %dma_start3A = arith.constant 0 : i32
      %dma_start3A_43 = tpu.memref_slice %arg10[%scan3A_42, %dma_start3A] : memref<108x96xi32, #tpu.memory_space<vmem>> -> memref<1x96xi32, #tpu.memory_space<vmem>>
      %dma_start3A_44 = tpu.memref_squeeze %dma_start3A_43 : memref<1x96xi32, #tpu.memory_space<vmem>> -> memref<96xi32, #tpu.memory_space<vmem>>
      %dma_start3A_45 = arith.constant 0 : i32
      %dma_start3A_46 = arith.constant 0 : i32
      %dma_start3A_47 = tpu.memref_slice %arg3[%dma_start3A_45, %dma_start3A_46] : memref<10008x16xf32, #tpu.memory_space<hbm>> -> memref<10008x16xf32, #tpu.memory_space<hbm>>
      tpu.enqueue_indirect_dma source(%dma_start3A_47 : memref<10008x16xf32, #tpu.memory_space<hbm>>) target(%arg12 : memref<96x16xf32, #tpu.memory_space<vmem>>) offsets(%dma_start3A_44 : memref<96xi32, #tpu.memory_space<vmem>>) semaphore(%arg17 : memref<!tpu.dma_semaphore, #tpu.memory_space<semaphore_mem>>)
      %dma_start3A_48 = arith.constant 0 : i32
      %dma_start3A_49 = tpu.memref_slice %arg11[%scan3A_42, %dma_start3A_48] : memref<108x96xi32, #tpu.memory_space<vmem>> -> memref<1x96xi32, #tpu.memory_space<vmem>>
      %dma_start3A_50 = tpu.memref_squeeze %dma_start3A_49 : memref<1x96xi32, #tpu.memory_space<vmem>> -> memref<96xi32, #tpu.memory_space<vmem>>
      %dma_start3A_51 = arith.constant 0 : i32
      %dma_start3A_52 = arith.constant 0 : i32
      %dma_start3A_53 = tpu.memref_slice %arg4[%dma_start3A_51, %dma_start3A_52] : memref<10008x16xf32, #tpu.memory_space<hbm>> -> memref<10008x16xf32, #tpu.memory_space<hbm>>
      tpu.enqueue_indirect_dma source(%dma_start3A_53 : memref<10008x16xf32, #tpu.memory_space<hbm>>) target(%arg13 : memref<96x16xf32, #tpu.memory_space<vmem>>) offsets(%dma_start3A_50 : memref<96xi32, #tpu.memory_space<vmem>>) semaphore(%arg18 : memref<!tpu.dma_semaphore, #tpu.memory_space<semaphore_mem>>)
      %dma_start3A_54 = arith.constant 0 : i32
      %dma_start3A_55 = tpu.memref_slice %arg10[%scan3A_42, %dma_start3A_54] : memref<108x96xi32, #tpu.memory_space<vmem>> -> memref<1x96xi32, #tpu.memory_space<vmem>>
      %dma_start3A_56 = tpu.memref_squeeze %dma_start3A_55 : memref<1x96xi32, #tpu.memory_space<vmem>> -> memref<96xi32, #tpu.memory_space<vmem>>
      %dma_start3A_57 = arith.constant 0 : i32
      %dma_start3A_58 = arith.constant 0 : i32
      %dma_start3A_59 = tpu.memref_slice %arg2[%dma_start3A_57, %dma_start3A_58] : memref<10008x128xf32, #tpu.memory_space<hbm>> -> memref<10008x128xf32, #tpu.memory_space<hbm>>
      tpu.enqueue_indirect_dma source(%dma_start3A_59 : memref<10008x128xf32, #tpu.memory_space<hbm>>) target(%arg15 : memref<96x128xf32, #tpu.memory_space<vmem>>) offsets(%dma_start3A_56 : memref<96xi32, #tpu.memory_space<vmem>>) semaphore(%arg19 : memref<!tpu.dma_semaphore, #tpu.memory_space<semaphore_mem>>)
      %dma_wait3A = arith.constant 0 : i32
      %dma_wait3A_60 = tpu.memref_slice %arg10[%scan3A_42, %dma_wait3A] : memref<108x96xi32, #tpu.memory_space<vmem>> -> memref<1x96xi32, #tpu.memory_space<vmem>>
      %dma_wait3A_61 = tpu.memref_squeeze %dma_wait3A_60 : memref<1x96xi32, #tpu.memory_space<vmem>> -> memref<96xi32, #tpu.memory_space<vmem>>
      %dma_wait3A_62 = arith.constant 0 : i32
      %dma_wait3A_63 = arith.constant 0 : i32
      %dma_wait3A_64 = tpu.memref_slice %arg3[%dma_wait3A_62, %dma_wait3A_63] : memref<10008x16xf32, #tpu.memory_space<hbm>> -> memref<10008x16xf32, #tpu.memory_space<hbm>>
      tpu.wait_indirect_dma semaphore(%arg17 : memref<!tpu.dma_semaphore, #tpu.memory_space<semaphore_mem>>) src(%dma_wait3A_64 : memref<10008x16xf32, #tpu.memory_space<hbm>>) dst(%arg12 : memref<96x16xf32, #tpu.memory_space<vmem>>)
      %dma_wait3A_65 = arith.constant 0 : i32
      %dma_wait3A_66 = tpu.memref_slice %arg11[%scan3A_42, %dma_wait3A_65] : memref<108x96xi32, #tpu.memory_space<vmem>> -> memref<1x96xi32, #tpu.memory_space<vmem>>
      %dma_wait3A_67 = tpu.memref_squeeze %dma_wait3A_66 : memref<1x96xi32, #tpu.memory_space<vmem>> -> memref<96xi32, #tpu.memory_space<vmem>>
      %dma_wait3A_68 = arith.constant 0 : i32
      %dma_wait3A_69 = arith.constant 0 : i32
      %dma_wait3A_70 = tpu.memref_slice %arg4[%dma_wait3A_68, %dma_wait3A_69] : memref<10008x16xf32, #tpu.memory_space<hbm>> -> memref<10008x16xf32, #tpu.memory_space<hbm>>
      tpu.wait_indirect_dma semaphore(%arg18 : memref<!tpu.dma_semaphore, #tpu.memory_space<semaphore_mem>>) src(%dma_wait3A_70 : memref<10008x16xf32, #tpu.memory_space<hbm>>) dst(%arg13 : memref<96x16xf32, #tpu.memory_space<vmem>>)
      %scan3A_71 = arith.constant 0 : i32
      %scan3A_72 = arith.constant 0 : i32
      %scan3A_73 = arith.constant 96 : i32
      %scan3A_74 = arith.addi %scan3A_72, %scan3A_73 : i32
      %scan3A_75 = arith.constant 1 : i32
      scf.for %scan3A_89 = %scan3A_72 to %scan3A_74 step %scan3A_75  : i32 {
        %get3A_90 = arith.index_cast %scan3A_89 : i32 to index
        %get3A_91 = arith.constant 0 : index
        %get3A_92 = tpu.vector_load %arg12[%get3A_90, %get3A_91] {strides = array<i32>} : memref<96x16xf32, #tpu.memory_space<vmem>>, vector<1x16xf32>,
        %get3A_93 = vector.shape_cast %get3A_92 : vector<1x16xf32> to vector<16xf32>
        %get3A_94 = arith.index_cast %scan3A_89 : i32 to index
        %get3A_95 = arith.constant 0 : index
        %get3A_96 = tpu.vector_load %arg13[%get3A_94, %get3A_95] {strides = array<i32>} : memref<96x16xf32, #tpu.memory_space<vmem>>, vector<1x16xf32>,
        %get3A_97 = vector.shape_cast %get3A_96 : vector<1x16xf32> to vector<16xf32>
        %add3A_98 = arith.addf %get3A_93, %get3A_97 : vector<16xf32>
        %ge3A = arith.constant 0.000000e+00 : f32
        %ge3A_99 = vector.broadcast %ge3A : f32 to vector<16xf32>
        %ge3A_100 = arith.cmpf oge, %add3A_98, %ge3A_99 : vector<16xf32>
        %mul3A_101 = arith.constant 2.000000e-01 : f32
        %mul3A_102 = vector.broadcast %mul3A_101 : f32 to vector<16xf32>
        %mul3A_103 = arith.mulf %mul3A_102, %add3A_98 : vector<16xf32>
        %select_n3A = arith.select %ge3A_100, %add3A_98, %mul3A_103 : vector<16xi1>, vector<16xf32>
        %sub3A = arith.subf %select_n3A, %get3A_32 : vector<16xf32>
        %exp3A = math.exp %sub3A : vector<16xf32>
        %swap3A = arith.index_cast %scan3A_89 : i32 to index
        %swap3A_104 = arith.constant 0 : index
        %swap3A_105 = tpu.vector_load %arg14[%swap3A, %swap3A_104] {strides = array<i32>} : memref<96x16xf32, #tpu.memory_space<vmem>>, vector<1x16xf32>,
        %swap3A_106 = vector.shape_cast %swap3A_105 : vector<1x16xf32> to vector<16xf32>
        %swap3A_107 = vector.shape_cast %exp3A : vector<16xf32> to vector<1x16xf32>
        tpu.vector_store %arg14[%swap3A, %swap3A_104], %swap3A_107 {strides = array<i32>} : memref<96x16xf32, #tpu.memory_space<vmem>>, vector<1x16xf32>,
      }
      %scan3A_76 = arith.constant 96 : i32
      "tpu.region"() ({
        %run_scoped3A_89 = tpu.sem_alloc : memref<!tpu.dma_semaphore, #tpu.memory_space<semaphore_mem>>
        %dma_start3A_90 = arith.constant 0 : i32
        %dma_start3A_91 = tpu.memref_slice %arg11[%scan3A_42, %dma_start3A_90] : memref<108x96xi32, #tpu.memory_space<vmem>> -> memref<1x96xi32, #tpu.memory_space<vmem>>
        %dma_start3A_92 = tpu.memref_squeeze %dma_start3A_91 : memref<1x96xi32, #tpu.memory_space<vmem>> -> memref<96xi32, #tpu.memory_space<vmem>>
        %dma_start3A_93 = arith.constant 0 : i32
        %dma_start3A_94 = arith.constant 0 : i32
        %dma_start3A_95 = tpu.memref_slice %arg21[%dma_start3A_93, %dma_start3A_94] : memref<10240x16xf32, #tpu.memory_space<vmem_shared>> -> memref<10240x16xf32, #tpu.memory_space<vmem_shared>>
        tpu.enqueue_indirect_dma source(%arg14 : memref<96x16xf32, #tpu.memory_space<vmem>>) target(%dma_start3A_95 : memref<10240x16xf32, #tpu.memory_space<vmem_shared>>) offsets(%dma_start3A_92 : memref<96xi32, #tpu.memory_space<vmem>>) semaphore(%run_scoped3A_89 : memref<!tpu.dma_semaphore, #tpu.memory_space<semaphore_mem>>) {add = true}
        %dma_wait3A_96 = arith.constant 0 : i32
        %dma_wait3A_97 = tpu.memref_slice %arg11[%scan3A_42, %dma_wait3A_96] : memref<108x96xi32, #tpu.memory_space<vmem>> -> memref<1x96xi32, #tpu.memory_space<vmem>>
        %dma_wait3A_98 = tpu.memref_squeeze %dma_wait3A_97 : memref<1x96xi32, #tpu.memory_space<vmem>> -> memref<96xi32, #tpu.memory_space<vmem>>
        %dma_wait3A_99 = arith.constant 0 : i32
        %dma_wait3A_100 = arith.constant 0 : i32
        %dma_wait3A_101 = tpu.memref_slice %arg21[%dma_wait3A_99, %dma_wait3A_100] : memref<10240x16xf32, #tpu.memory_space<vmem_shared>> -> memref<10240x16xf32, #tpu.memory_space<vmem_shared>>
        tpu.wait_indirect_dma semaphore(%run_scoped3A_89 : memref<!tpu.dma_semaphore, #tpu.memory_space<semaphore_mem>>) src(%arg14 : memref<96x16xf32, #tpu.memory_space<vmem>>) dst(%dma_wait3A_101 : memref<10240x16xf32, #tpu.memory_space<vmem_shared>>)
        tpu.yield
      }) : () -> ()
      %dma_wait3A_77 = arith.constant 0 : i32
      %dma_wait3A_78 = tpu.memref_slice %arg10[%scan3A_42, %dma_wait3A_77] : memref<108x96xi32, #tpu.memory_space<vmem>> -> memref<1x96xi32, #tpu.memory_space<vmem>>
      %dma_wait3A_79 = tpu.memref_squeeze %dma_wait3A_78 : memref<1x96xi32, #tpu.memory_space<vmem>> -> memref<96xi32, #tpu.memory_space<vmem>>
      %dma_wait3A_80 = arith.constant 0 : i32
      %dma_wait3A_81 = arith.constant 0 : i32
      %dma_wait3A_82 = tpu.memref_slice %arg2[%dma_wait3A_80, %dma_wait3A_81] : memref<10008x128xf32, #tpu.memory_space<hbm>> -> memref<10008x128xf32, #tpu.memory_space<hbm>>
      tpu.wait_indirect_dma semaphore(%arg19 : memref<!tpu.dma_semaphore, #tpu.memory_space<semaphore_mem>>) src(%dma_wait3A_82 : memref<10008x128xf32, #tpu.memory_space<hbm>>) dst(%arg15 : memref<96x128xf32, #tpu.memory_space<vmem>>)
      %scan3A_83 = arith.constant 0 : i32
      %scan3A_84 = arith.constant 0 : i32
      %scan3A_85 = arith.constant 96 : i32
      %scan3A_86 = arith.addi %scan3A_84, %scan3A_85 : i32
      %scan3A_87 = arith.constant 1 : i32
      scf.for %scan3A_89 = %scan3A_84 to %scan3A_86 step %scan3A_87  : i32 {
        %get3A_90 = arith.index_cast %scan3A_89 : i32 to index
        %get3A_91 = arith.constant 0 : index
        %get3A_92 = tpu.vector_load %arg14[%get3A_90, %get3A_91] {strides = array<i32>} : memref<96x16xf32, #tpu.memory_space<vmem>>, vector<1x16xf32>,
        %get3A_93 = vector.shape_cast %get3A_92 : vector<1x16xf32> to vector<16xf32>
        %slice3A = vector.extract_strided_slice %get3A_93 {offsets = [0], sizes = [1], strides = [1]} : vector<16xf32> to vector<1xf32>
        %squeeze3A = vector.extract %slice3A[0] : f32 from vector<1xf32>
        %get3A_94 = arith.index_cast %scan3A_89 : i32 to index
        %get3A_95 = arith.constant 0 : index
        %get3A_96 = tpu.vector_load %arg15[%get3A_94, %get3A_95] {strides = array<i32>} : memref<96x128xf32, #tpu.memory_space<vmem>>, vector<1x16xf32>,
        %get3A_97 = vector.shape_cast %get3A_96 : vector<1x16xf32> to vector<16xf32>
        %mul3A_98 = vector.broadcast %squeeze3A : f32 to vector<16xf32>
        %mul3A_99 = arith.mulf %get3A_97, %mul3A_98 : vector<16xf32>
        %swap3A = arith.index_cast %scan3A_89 : i32 to index
        %swap3A_100 = arith.constant 0 : index
        %swap3A_101 = tpu.vector_load %arg15[%swap3A, %swap3A_100] {strides = array<i32>} : memref<96x128xf32, #tpu.memory_space<vmem>>, vector<1x16xf32>,
        %swap3A_102 = vector.shape_cast %swap3A_101 : vector<1x16xf32> to vector<16xf32>
        %swap3A_103 = vector.shape_cast %mul3A_99 : vector<16xf32> to vector<1x16xf32>
        tpu.vector_store %arg15[%swap3A, %swap3A_100], %swap3A_103 {strides = array<i32>} : memref<96x128xf32, #tpu.memory_space<vmem>>, vector<1x16xf32>,
        %slice3A_104 = vector.extract_strided_slice %get3A_93 {offsets = [1], sizes = [1], strides = [1]} : vector<16xf32> to vector<1xf32>
        %squeeze3A_105 = vector.extract %slice3A_104[0] : f32 from vector<1xf32>
        %get3A_106 = arith.index_cast %scan3A_89 : i32 to index
        %get3A_107 = arith.constant 16 : index
        %get3A_108 = tpu.vector_load %arg15[%get3A_106, %get3A_107] {strides = array<i32>} : memref<96x128xf32, #tpu.memory_space<vmem>>, vector<1x16xf32>,
        %get3A_109 = vector.shape_cast %get3A_108 : vector<1x16xf32> to vector<16xf32>
        %mul3A_110 = vector.broadcast %squeeze3A_105 : f32 to vector<16xf32>
        %mul3A_111 = arith.mulf %get3A_109, %mul3A_110 : vector<16xf32>
        %swap3A_112 = arith.index_cast %scan3A_89 : i32 to index
        %swap3A_113 = arith.constant 16 : index
        %swap3A_114 = tpu.vector_load %arg15[%swap3A_112, %swap3A_113] {strides = array<i32>} : memref<96x128xf32, #tpu.memory_space<vmem>>, vector<1x16xf32>,
        %swap3A_115 = vector.shape_cast %swap3A_114 : vector<1x16xf32> to vector<16xf32>
        %swap3A_116 = vector.shape_cast %mul3A_111 : vector<16xf32> to vector<1x16xf32>
        tpu.vector_store %arg15[%swap3A_112, %swap3A_113], %swap3A_116 {strides = array<i32>} : memref<96x128xf32, #tpu.memory_space<vmem>>, vector<1x16xf32>,
        %slice3A_117 = vector.extract_strided_slice %get3A_93 {offsets = [2], sizes = [1], strides = [1]} : vector<16xf32> to vector<1xf32>
        %squeeze3A_118 = vector.extract %slice3A_117[0] : f32 from vector<1xf32>
        %get3A_119 = arith.index_cast %scan3A_89 : i32 to index
        %get3A_120 = arith.constant 32 : index
        %get3A_121 = tpu.vector_load %arg15[%get3A_119, %get3A_120] {strides = array<i32>} : memref<96x128xf32, #tpu.memory_space<vmem>>, vector<1x16xf32>,
        %get3A_122 = vector.shape_cast %get3A_121 : vector<1x16xf32> to vector<16xf32>
        %mul3A_123 = vector.broadcast %squeeze3A_118 : f32 to vector<16xf32>
        %mul3A_124 = arith.mulf %get3A_122, %mul3A_123 : vector<16xf32>
        %swap3A_125 = arith.index_cast %scan3A_89 : i32 to index
        %swap3A_126 = arith.constant 32 : index
        %swap3A_127 = tpu.vector_load %arg15[%swap3A_125, %swap3A_126] {strides = array<i32>} : memref<96x128xf32, #tpu.memory_space<vmem>>, vector<1x16xf32>,
        %swap3A_128 = vector.shape_cast %swap3A_127 : vector<1x16xf32> to vector<16xf32>
        %swap3A_129 = vector.shape_cast %mul3A_124 : vector<16xf32> to vector<1x16xf32>
        tpu.vector_store %arg15[%swap3A_125, %swap3A_126], %swap3A_129 {strides = array<i32>} : memref<96x128xf32, #tpu.memory_space<vmem>>, vector<1x16xf32>,
        %slice3A_130 = vector.extract_strided_slice %get3A_93 {offsets = [3], sizes = [1], strides = [1]} : vector<16xf32> to vector<1xf32>
        %squeeze3A_131 = vector.extract %slice3A_130[0] : f32 from vector<1xf32>
        %get3A_132 = arith.index_cast %scan3A_89 : i32 to index
        %get3A_133 = arith.constant 48 : index
        %get3A_134 = tpu.vector_load %arg15[%get3A_132, %get3A_133] {strides = array<i32>} : memref<96x128xf32, #tpu.memory_space<vmem>>, vector<1x16xf32>,
        %get3A_135 = vector.shape_cast %get3A_134 : vector<1x16xf32> to vector<16xf32>
        %mul3A_136 = vector.broadcast %squeeze3A_131 : f32 to vector<16xf32>
        %mul3A_137 = arith.mulf %get3A_135, %mul3A_136 : vector<16xf32>
        %swap3A_138 = arith.index_cast %scan3A_89 : i32 to index
        %swap3A_139 = arith.constant 48 : index
        %swap3A_140 = tpu.vector_load %arg15[%swap3A_138, %swap3A_139] {strides = array<i32>} : memref<96x128xf32, #tpu.memory_space<vmem>>, vector<1x16xf32>,
        %swap3A_141 = vector.shape_cast %swap3A_140 : vector<1x16xf32> to vector<16xf32>
        %swap3A_142 = vector.shape_cast %mul3A_137 : vector<16xf32> to vector<1x16xf32>
        tpu.vector_store %arg15[%swap3A_138, %swap3A_139], %swap3A_142 {strides = array<i32>} : memref<96x128xf32, #tpu.memory_space<vmem>>, vector<1x16xf32>,
        %slice3A_143 = vector.extract_strided_slice %get3A_93 {offsets = [4], sizes = [1], strides = [1]} : vector<16xf32> to vector<1xf32>
        %squeeze3A_144 = vector.extract %slice3A_143[0] : f32 from vector<1xf32>
        %get3A_145 = arith.index_cast %scan3A_89 : i32 to index
        %get3A_146 = arith.constant 64 : index
        %get3A_147 = tpu.vector_load %arg15[%get3A_145, %get3A_146] {strides = array<i32>} : memref<96x128xf32, #tpu.memory_space<vmem>>, vector<1x16xf32>,
        %get3A_148 = vector.shape_cast %get3A_147 : vector<1x16xf32> to vector<16xf32>
        %mul3A_149 = vector.broadcast %squeeze3A_144 : f32 to vector<16xf32>
        %mul3A_150 = arith.mulf %get3A_148, %mul3A_149 : vector<16xf32>
        %swap3A_151 = arith.index_cast %scan3A_89 : i32 to index
        %swap3A_152 = arith.constant 64 : index
        %swap3A_153 = tpu.vector_load %arg15[%swap3A_151, %swap3A_152] {strides = array<i32>} : memref<96x128xf32, #tpu.memory_space<vmem>>, vector<1x16xf32>,
        %swap3A_154 = vector.shape_cast %swap3A_153 : vector<1x16xf32> to vector<16xf32>
        %swap3A_155 = vector.shape_cast %mul3A_150 : vector<16xf32> to vector<1x16xf32>
        tpu.vector_store %arg15[%swap3A_151, %swap3A_152], %swap3A_155 {strides = array<i32>} : memref<96x128xf32, #tpu.memory_space<vmem>>, vector<1x16xf32>,
        %slice3A_156 = vector.extract_strided_slice %get3A_93 {offsets = [5], sizes = [1], strides = [1]} : vector<16xf32> to vector<1xf32>
        %squeeze3A_157 = vector.extract %slice3A_156[0] : f32 from vector<1xf32>
        %get3A_158 = arith.index_cast %scan3A_89 : i32 to index
        %get3A_159 = arith.constant 80 : index
        %get3A_160 = tpu.vector_load %arg15[%get3A_158, %get3A_159] {strides = array<i32>} : memref<96x128xf32, #tpu.memory_space<vmem>>, vector<1x16xf32>,
        %get3A_161 = vector.shape_cast %get3A_160 : vector<1x16xf32> to vector<16xf32>
        %mul3A_162 = vector.broadcast %squeeze3A_157 : f32 to vector<16xf32>
        %mul3A_163 = arith.mulf %get3A_161, %mul3A_162 : vector<16xf32>
        %swap3A_164 = arith.index_cast %scan3A_89 : i32 to index
        %swap3A_165 = arith.constant 80 : index
        %swap3A_166 = tpu.vector_load %arg15[%swap3A_164, %swap3A_165] {strides = array<i32>} : memref<96x128xf32, #tpu.memory_space<vmem>>, vector<1x16xf32>,
        %swap3A_167 = vector.shape_cast %swap3A_166 : vector<1x16xf32> to vector<16xf32>
        %swap3A_168 = vector.shape_cast %mul3A_163 : vector<16xf32> to vector<1x16xf32>
        tpu.vector_store %arg15[%swap3A_164, %swap3A_165], %swap3A_168 {strides = array<i32>} : memref<96x128xf32, #tpu.memory_space<vmem>>, vector<1x16xf32>,
        %slice3A_169 = vector.extract_strided_slice %get3A_93 {offsets = [6], sizes = [1], strides = [1]} : vector<16xf32> to vector<1xf32>
        %squeeze3A_170 = vector.extract %slice3A_169[0] : f32 from vector<1xf32>
        %get3A_171 = arith.index_cast %scan3A_89 : i32 to index
        %get3A_172 = arith.constant 96 : index
        %get3A_173 = tpu.vector_load %arg15[%get3A_171, %get3A_172] {strides = array<i32>} : memref<96x128xf32, #tpu.memory_space<vmem>>, vector<1x16xf32>,
        %get3A_174 = vector.shape_cast %get3A_173 : vector<1x16xf32> to vector<16xf32>
        %mul3A_175 = vector.broadcast %squeeze3A_170 : f32 to vector<16xf32>
        %mul3A_176 = arith.mulf %get3A_174, %mul3A_175 : vector<16xf32>
        %swap3A_177 = arith.index_cast %scan3A_89 : i32 to index
        %swap3A_178 = arith.constant 96 : index
        %swap3A_179 = tpu.vector_load %arg15[%swap3A_177, %swap3A_178] {strides = array<i32>} : memref<96x128xf32, #tpu.memory_space<vmem>>, vector<1x16xf32>,
        %swap3A_180 = vector.shape_cast %swap3A_179 : vector<1x16xf32> to vector<16xf32>
        %swap3A_181 = vector.shape_cast %mul3A_176 : vector<16xf32> to vector<1x16xf32>
        tpu.vector_store %arg15[%swap3A_177, %swap3A_178], %swap3A_181 {strides = array<i32>} : memref<96x128xf32, #tpu.memory_space<vmem>>, vector<1x16xf32>,
        %slice3A_182 = vector.extract_strided_slice %get3A_93 {offsets = [7], sizes = [1], strides = [1]} : vector<16xf32> to vector<1xf32>
        %squeeze3A_183 = vector.extract %slice3A_182[0] : f32 from vector<1xf32>
        %get3A_184 = arith.index_cast %scan3A_89 : i32 to index
        %get3A_185 = arith.constant 112 : index
        %get3A_186 = tpu.vector_load %arg15[%get3A_184, %get3A_185] {strides = array<i32>} : memref<96x128xf32, #tpu.memory_space<vmem>>, vector<1x16xf32>,
        %get3A_187 = vector.shape_cast %get3A_186 : vector<1x16xf32> to vector<16xf32>
        %mul3A_188 = vector.broadcast %squeeze3A_183 : f32 to vector<16xf32>
        %mul3A_189 = arith.mulf %get3A_187, %mul3A_188 : vector<16xf32>
        %swap3A_190 = arith.index_cast %scan3A_89 : i32 to index
        %swap3A_191 = arith.constant 112 : index
        %swap3A_192 = tpu.vector_load %arg15[%swap3A_190, %swap3A_191] {strides = array<i32>} : memref<96x128xf32, #tpu.memory_space<vmem>>, vector<1x16xf32>,
        %swap3A_193 = vector.shape_cast %swap3A_192 : vector<1x16xf32> to vector<16xf32>
        %swap3A_194 = vector.shape_cast %mul3A_189 : vector<16xf32> to vector<1x16xf32>
        tpu.vector_store %arg15[%swap3A_190, %swap3A_191], %swap3A_194 {strides = array<i32>} : memref<96x128xf32, #tpu.memory_space<vmem>>, vector<1x16xf32>,
      }
      %scan3A_88 = arith.constant 96 : i32
      "tpu.region"() ({
        %run_scoped3A_89 = tpu.sem_alloc : memref<!tpu.dma_semaphore, #tpu.memory_space<semaphore_mem>>
        %dma_start3A_90 = arith.constant 0 : i32
        %dma_start3A_91 = tpu.memref_slice %arg11[%scan3A_42, %dma_start3A_90] : memref<108x96xi32, #tpu.memory_space<vmem>> -> memref<1x96xi32, #tpu.memory_space<vmem>>
        %dma_start3A_92 = tpu.memref_squeeze %dma_start3A_91 : memref<1x96xi32, #tpu.memory_space<vmem>> -> memref<96xi32, #tpu.memory_space<vmem>>
        %dma_start3A_93 = arith.constant 0 : i32
        %dma_start3A_94 = arith.constant 0 : i32
        %dma_start3A_95 = tpu.memref_slice %arg20[%dma_start3A_93, %dma_start3A_94] : memref<10240x128xf32, #tpu.memory_space<vmem_shared>> -> memref<10240x128xf32, #tpu.memory_space<vmem_shared>>
        tpu.enqueue_indirect_dma source(%arg15 : memref<96x128xf32, #tpu.memory_space<vmem>>) target(%dma_start3A_95 : memref<10240x128xf32, #tpu.memory_space<vmem_shared>>) offsets(%dma_start3A_92 : memref<96xi32, #tpu.memory_space<vmem>>) semaphore(%run_scoped3A_89 : memref<!tpu.dma_semaphore, #tpu.memory_space<semaphore_mem>>) {add = true}
        %dma_wait3A_96 = arith.constant 0 : i32
        %dma_wait3A_97 = tpu.memref_slice %arg11[%scan3A_42, %dma_wait3A_96] : memref<108x96xi32, #tpu.memory_space<vmem>> -> memref<1x96xi32, #tpu.memory_space<vmem>>
        %dma_wait3A_98 = tpu.memref_squeeze %dma_wait3A_97 : memref<1x96xi32, #tpu.memory_space<vmem>> -> memref<96xi32, #tpu.memory_space<vmem>>
        %dma_wait3A_99 = arith.constant 0 : i32
        %dma_wait3A_100 = arith.constant 0 : i32
        %dma_wait3A_101 = tpu.memref_slice %arg20[%dma_wait3A_99, %dma_wait3A_100] : memref<10240x128xf32, #tpu.memory_space<vmem_shared>> -> memref<10240x128xf32, #tpu.memory_space<vmem_shared>>
        tpu.wait_indirect_dma semaphore(%run_scoped3A_89 : memref<!tpu.dma_semaphore, #tpu.memory_space<semaphore_mem>>) src(%arg15 : memref<96x128xf32, #tpu.memory_space<vmem>>) dst(%dma_wait3A_101 : memref<10240x128xf32, #tpu.memory_space<vmem_shared>>)
        tpu.yield
      }) : () -> ()
    }
    %scan3A_38 = arith.constant 108 : i32
    %barrier3A_39 = arith.constant 0 : index
    tpu.barrier barrier_id(%barrier3A_39)
    %mul3A_40 = arith.constant 640 : i32
    %mul3A_41 = arith.muli %arg1, %mul3A_40 : i32
    "tpu.region"() ({
      %run_scoped3A_42 = tpu.sem_alloc : memref<!tpu.dma_semaphore, #tpu.memory_space<semaphore_mem>>
      %dma_start3A = arith.constant 0 : i32
      %dma_start3A_43 = tpu.memref_slice %arg8[%arg0, %mul3A_41, %dma_start3A] : memref<2x10240x128xf32, #tpu.memory_space<hbm>> -> memref<1x640x128xf32, #tpu.memory_space<hbm>>
      %dma_start3A_44 = tpu.memref_squeeze %dma_start3A_43 : memref<1x640x128xf32, #tpu.memory_space<hbm>> -> memref<640x128xf32, #tpu.memory_space<hbm>>
      %dma_start3A_45 = arith.constant 0 : i32
      %dma_start3A_46 = tpu.memref_slice %arg20[%mul3A_41, %dma_start3A_45] : memref<10240x128xf32, #tpu.memory_space<vmem_shared>> -> memref<640x128xf32, #tpu.memory_space<vmem_shared>>
      tpu.enqueue_dma source(%dma_start3A_46 : memref<640x128xf32, #tpu.memory_space<vmem_shared>>) target(%dma_start3A_44 : memref<640x128xf32, #tpu.memory_space<hbm>>) target_semaphore(%run_scoped3A_42 : memref<!tpu.dma_semaphore, #tpu.memory_space<semaphore_mem>>)
      %dma_wait3A = arith.constant 0 : i32
      %dma_wait3A_47 = tpu.memref_slice %arg8[%arg0, %mul3A_41, %dma_wait3A] : memref<2x10240x128xf32, #tpu.memory_space<hbm>> -> memref<1x640x128xf32, #tpu.memory_space<hbm>>
      %dma_wait3A_48 = tpu.memref_squeeze %dma_wait3A_47 : memref<1x640x128xf32, #tpu.memory_space<hbm>> -> memref<640x128xf32, #tpu.memory_space<hbm>>
      %dma_wait3A_49 = arith.constant 0 : i32
      %dma_wait3A_50 = tpu.memref_slice %arg20[%mul3A_41, %dma_wait3A_49] : memref<10240x128xf32, #tpu.memory_space<vmem_shared>> -> memref<640x128xf32, #tpu.memory_space<vmem_shared>>
      tpu.wait_dma2 semaphore(%run_scoped3A_42 : memref<!tpu.dma_semaphore, #tpu.memory_space<semaphore_mem>>) src(%dma_wait3A_50 : memref<640x128xf32, #tpu.memory_space<vmem_shared>>) dst(%dma_wait3A_48 : memref<640x128xf32, #tpu.memory_space<hbm>>)
      tpu.yield
    }) : () -> ()
    "tpu.region"() ({
      %run_scoped3A_42 = tpu.sem_alloc : memref<!tpu.dma_semaphore, #tpu.memory_space<semaphore_mem>>
      %dma_start3A = arith.constant 0 : i32
      %dma_start3A_43 = tpu.memref_slice %arg9[%arg0, %mul3A_41, %dma_start3A] : memref<2x10240x16xf32, #tpu.memory_space<hbm>> -> memref<1x640x16xf32, #tpu.memory_space<hbm>>
      %dma_start3A_44 = tpu.memref_squeeze %dma_start3A_43 : memref<1x640x16xf32, #tpu.memory_space<hbm>> -> memref<640x16xf32, #tpu.memory_space<hbm>>
      %dma_start3A_45 = arith.constant 0 : i32
      %dma_start3A_46 = tpu.memref_slice %arg21[%mul3A_41, %dma_start3A_45] : memref<10240x16xf32, #tpu.memory_space<vmem_shared>> -> memref<640x16xf32, #tpu.memory_space<vmem_shared>>
      tpu.enqueue_dma source(%dma_start3A_46 : memref<640x16xf32, #tpu.memory_space<vmem_shared>>) target(%dma_start3A_44 : memref<640x16xf32, #tpu.memory_space<hbm>>) target_semaphore(%run_scoped3A_42 : memref<!tpu.dma_semaphore, #tpu.memory_space<semaphore_mem>>)
      %dma_wait3A = arith.constant 0 : i32
      %dma_wait3A_47 = tpu.memref_slice %arg9[%arg0, %mul3A_41, %dma_wait3A] : memref<2x10240x16xf32, #tpu.memory_space<hbm>> -> memref<1x640x16xf32, #tpu.memory_space<hbm>>
      %dma_wait3A_48 = tpu.memref_squeeze %dma_wait3A_47 : memref<1x640x16xf32, #tpu.memory_space<hbm>> -> memref<640x16xf32, #tpu.memory_space<hbm>>
      %dma_wait3A_49 = arith.constant 0 : i32
      %dma_wait3A_50 = tpu.memref_slice %arg21[%mul3A_41, %dma_wait3A_49] : memref<10240x16xf32, #tpu.memory_space<vmem_shared>> -> memref<640x16xf32, #tpu.memory_space<vmem_shared>>
      tpu.wait_dma2 semaphore(%run_scoped3A_42 : memref<!tpu.dma_semaphore, #tpu.memory_space<semaphore_mem>>) src(%dma_wait3A_50 : memref<640x16xf32, #tpu.memory_space<vmem_shared>>) dst(%dma_wait3A_48 : memref<640x16xf32, #tpu.memory_space<hbm>>)
      tpu.yield
    }) : () -> ()
    return
  }
}

module attributes {stable_mosaic.version = 14 : i64} {
  func.func @_prep_body(%arg0: memref<10000x128xf32, #tpu.memory_space<vmem>>, %arg1: memref<128x128xf32, #tpu.memory_space<vmem>>, %arg2: memref<128x8xf32, #tpu.memory_space<vmem>>, %arg3: memref<128x8xf32, #tpu.memory_space<vmem>>, %arg4: memref<10008x128xf32, #tpu.memory_space<vmem>>, %arg5: memref<10008x16xf32, #tpu.memory_space<vmem>>, %arg6: memref<10008x16xf32, #tpu.memory_space<vmem>>, %arg7: memref<1x16xf32, #tpu.memory_space<vmem>>) attributes {dimension_semantics = [], scalar_prefetch = 0 : i64, scratch_operands = 0 : i64, tpu.core_type = #tpu.core_type<tc>} {
    %get3A = arith.constant 0 : index
    %get3A_0 = arith.constant 0 : index
    %get3A_1 = vector.load %arg0[%get3A, %get3A_0] : memref<10000x128xf32, #tpu.memory_space<vmem>>, vector<10000x128xf32>
    %get3A_2 = arith.constant 0 : index
    %get3A_3 = arith.constant 0 : index
    %get3A_4 = vector.load %arg1[%get3A_2, %get3A_3] : memref<128x128xf32, #tpu.memory_space<vmem>>, vector<128x128xf32>
    %dot_general3A = arith.constant dense<0.000000e+00> : vector<10000x128xf32>
    %dot_general3A_5 = tpu.matmul %get3A_1, %get3A_4, %dot_general3A {dimension_numbers = #tpu.dot_dimension_numbers<[1], [0], [0], [1], [0, 0, 1, 1], [], []>, transpose_lhs_hint = false} : vector<10000x128xf32>, vector<128x128xf32>, vector<10000x128xf32> -> vector<10000x128xf32>
    %get3A_6 = arith.constant 0 : index
    %get3A_7 = arith.constant 0 : index
    %get3A_8 = vector.load %arg2[%get3A_6, %get3A_7] : memref<128x8xf32, #tpu.memory_space<vmem>>, vector<128x8xf32>
    %dot_general3A_9 = arith.constant dense<0.000000e+00> : vector<10000x8xf32>
    %dot_general3A_10 = tpu.matmul %dot_general3A_5, %get3A_8, %dot_general3A_9 {dimension_numbers = #tpu.dot_dimension_numbers<[1], [0], [0], [1], [0, 0, 1, 1], [], []>, transpose_lhs_hint = false} : vector<10000x128xf32>, vector<128x8xf32>, vector<10000x8xf32> -> vector<10000x8xf32>
    %get3A_11 = arith.constant 0 : index
    %get3A_12 = arith.constant 0 : index
    %get3A_13 = vector.load %arg3[%get3A_11, %get3A_12] : memref<128x8xf32, #tpu.memory_space<vmem>>, vector<128x8xf32>
    %dot_general3A_14 = arith.constant dense<0.000000e+00> : vector<10000x8xf32>
    %dot_general3A_15 = tpu.matmul %dot_general3A_5, %get3A_13, %dot_general3A_14 {dimension_numbers = #tpu.dot_dimension_numbers<[1], [0], [0], [1], [0, 0, 1, 1], [], []>, transpose_lhs_hint = false} : vector<10000x128xf32>, vector<128x8xf32>, vector<10000x8xf32> -> vector<10000x8xf32>
    %broadcast_in_dim3A = arith.constant 0.000000e+00 : f32
    %broadcast_in_dim3A_16 = vector.broadcast %broadcast_in_dim3A : f32 to vector<8x128xf32>
    %concatenate3A = tpu.concatenate %dot_general3A_5, %broadcast_in_dim3A_16 in 0 : vector<10000x128xf32>, vector<8x128xf32> -> vector<10008x128xf32>
    %swap3A = arith.constant 0 : index
    %swap3A_17 = arith.constant 0 : index
    %swap3A_18 = vector.load %arg4[%swap3A, %swap3A_17] : memref<10008x128xf32, #tpu.memory_space<vmem>>, vector<10008x128xf32>
    tpu.vector_store %arg4[%swap3A, %swap3A_17], %concatenate3A {strides = array<i32>} : memref<10008x128xf32, #tpu.memory_space<vmem>>, vector<10008x128xf32>,
    %broadcast_in_dim3A_19 = arith.constant -1.000000e+30 : f32
    %broadcast_in_dim3A_20 = vector.broadcast %broadcast_in_dim3A_19 : f32 to vector<8x16xf32>
    %broadcast_in_dim3A_21 = arith.constant 0.000000e+00 : f32
    %broadcast_in_dim3A_22 = vector.broadcast %broadcast_in_dim3A_21 : f32 to vector<10000x8xf32>
    %concatenate3A_23 = tpu.concatenate %dot_general3A_10, %broadcast_in_dim3A_22 in 1 : vector<10000x8xf32>, vector<10000x8xf32> -> vector<10000x16xf32>
    %concatenate3A_24 = tpu.concatenate %concatenate3A_23, %broadcast_in_dim3A_20 in 0 : vector<10000x16xf32>, vector<8x16xf32> -> vector<10008x16xf32>
    %swap3A_25 = arith.constant 0 : index
    %swap3A_26 = arith.constant 0 : index
    %swap3A_27 = vector.load %arg5[%swap3A_25, %swap3A_26] : memref<10008x16xf32, #tpu.memory_space<vmem>>, vector<10008x16xf32>
    tpu.vector_store %arg5[%swap3A_25, %swap3A_26], %concatenate3A_24 {strides = array<i32>} : memref<10008x16xf32, #tpu.memory_space<vmem>>, vector<10008x16xf32>,
    %concatenate3A_28 = tpu.concatenate %dot_general3A_15, %broadcast_in_dim3A_22 in 1 : vector<10000x8xf32>, vector<10000x8xf32> -> vector<10000x16xf32>
    %broadcast_in_dim3A_29 = arith.constant 0.000000e+00 : f32
    %broadcast_in_dim3A_30 = vector.broadcast %broadcast_in_dim3A_29 : f32 to vector<8x16xf32>
    %concatenate3A_31 = tpu.concatenate %concatenate3A_28, %broadcast_in_dim3A_30 in 0 : vector<10000x16xf32>, vector<8x16xf32> -> vector<10008x16xf32>
    %swap3A_32 = arith.constant 0 : index
    %swap3A_33 = arith.constant 0 : index
    %swap3A_34 = vector.load %arg6[%swap3A_32, %swap3A_33] : memref<10008x16xf32, #tpu.memory_space<vmem>>, vector<10008x16xf32>
    tpu.vector_store %arg6[%swap3A_32, %swap3A_33], %concatenate3A_31 {strides = array<i32>} : memref<10008x16xf32, #tpu.memory_space<vmem>>, vector<10008x16xf32>,
    %reduce_max3A = arith.constant dense<0xFF800000> : vector<8xf32>
    %reduce_max3A_35 = vector.multi_reduction <maximumf>, %dot_general3A_10, %reduce_max3A [0] : vector<10000x8xf32> to vector<8xf32>
    %reduce_max3A_36 = arith.constant dense<0xFF800000> : vector<8xf32>
    %reduce_max3A_37 = vector.multi_reduction <maximumf>, %dot_general3A_15, %reduce_max3A_36 [0] : vector<10000x8xf32> to vector<8xf32>
    %add3A = arith.addf %reduce_max3A_35, %reduce_max3A_37 : vector<8xf32>
    %ge3A = arith.constant 0.000000e+00 : f32
    %ge3A_38 = vector.broadcast %ge3A : f32 to vector<8xf32>
    %ge3A_39 = arith.cmpf oge, %add3A, %ge3A_38 : vector<8xf32>
    %mul3A = arith.constant 2.000000e-01 : f32
    %mul3A_40 = vector.broadcast %mul3A : f32 to vector<8xf32>
    %mul3A_41 = arith.mulf %mul3A_40, %add3A : vector<8xf32>
    %select_n3A = arith.select %ge3A_39, %add3A, %mul3A_41 : vector<8xi1>, vector<8xf32>
    %concatenate3A_42 = tpu.concatenate %select_n3A, %select_n3A in 0 : vector<8xf32>, vector<8xf32> -> vector<16xf32>
    %reshape3A = vector.shape_cast %concatenate3A_42 : vector<16xf32> to vector<1x16xf32>
    %swap3A_43 = arith.constant 0 : index
    %swap3A_44 = arith.constant 0 : index
    %swap3A_45 = vector.load %arg7[%swap3A_43, %swap3A_44] : memref<1x16xf32, #tpu.memory_space<vmem>>, vector<1x16xf32>
    tpu.vector_store %arg7[%swap3A_43, %swap3A_44], %reshape3A {strides = array<i32>} : memref<1x16xf32, #tpu.memory_space<vmem>>, vector<1x16xf32>,
    return
  }
}

module attributes {stable_mosaic.version = 14 : i64} {
  func.func @_tail_body(%arg0: memref<2x10240x128xf32, #tpu.memory_space<vmem>>, %arg1: memref<2x10240x16xf32, #tpu.memory_space<vmem>>, %arg2: memref<8x128xf32, #tpu.memory_space<vmem>>, %arg3: memref<1x128xf32, #tpu.memory_space<vmem>>, %arg4: memref<128x128xf32, #tpu.memory_space<vmem>>, %arg5: memref<1x128xf32, #tpu.memory_space<vmem>>, %arg6: memref<1x128xf32, #tpu.memory_space<vmem>>, %arg7: memref<1x128xf32, #tpu.memory_space<vmem>>, %arg8: memref<128x128xf32, #tpu.memory_space<vmem>>, %arg9: memref<1x128xf32, #tpu.memory_space<vmem>>, %arg10: memref<10000x128xf32, #tpu.memory_space<vmem>>) attributes {dimension_semantics = [], scalar_prefetch = 0 : i64, scratch_operands = 0 : i64, tpu.core_type = #tpu.core_type<tc>} {
    %get3A = arith.constant 0 : index
    %get3A_0 = arith.constant 0 : index
    %get3A_1 = arith.constant 0 : index
    %get3A_2 = vector.load %arg0[%get3A, %get3A_0, %get3A_1] : memref<2x10240x128xf32, #tpu.memory_space<vmem>>, vector<1x10000x128xf32>
    %get3A_3 = vector.shape_cast %get3A_2 : vector<1x10000x128xf32> to vector<10000x128xf32>
    %get3A_4 = arith.constant 1 : index
    %get3A_5 = arith.constant 0 : index
    %get3A_6 = arith.constant 0 : index
    %get3A_7 = vector.load %arg0[%get3A_4, %get3A_5, %get3A_6] : memref<2x10240x128xf32, #tpu.memory_space<vmem>>, vector<1x10000x128xf32>
    %get3A_8 = vector.shape_cast %get3A_7 : vector<1x10000x128xf32> to vector<10000x128xf32>
    %add3A = arith.addf %get3A_3, %get3A_8 : vector<10000x128xf32>
    %get3A_9 = arith.constant 0 : index
    %get3A_10 = arith.constant 0 : index
    %get3A_11 = arith.constant 0 : index
    %get3A_12 = vector.load %arg1[%get3A_9, %get3A_10, %get3A_11] : memref<2x10240x16xf32, #tpu.memory_space<vmem>>, vector<1x10000x8xf32>
    %get3A_13 = vector.shape_cast %get3A_12 : vector<1x10000x8xf32> to vector<10000x8xf32>
    %get3A_14 = arith.constant 1 : index
    %get3A_15 = arith.constant 0 : index
    %get3A_16 = arith.constant 0 : index
    %get3A_17 = vector.load %arg1[%get3A_14, %get3A_15, %get3A_16] : memref<2x10240x16xf32, #tpu.memory_space<vmem>>, vector<1x10000x8xf32>
    %get3A_18 = vector.shape_cast %get3A_17 : vector<1x10000x8xf32> to vector<10000x8xf32>
    %add3A_19 = arith.addf %get3A_13, %get3A_18 : vector<10000x8xf32>
    %add3A_20 = arith.constant 1.000000e-16 : f32
    %add3A_21 = vector.broadcast %add3A_20 : f32 to vector<10000x8xf32>
    %add3A_22 = arith.addf %add3A_19, %add3A_21 : vector<10000x8xf32>
    %div3A = arith.constant 1.000000e+00 : f32
    %div3A_23 = vector.broadcast %div3A : f32 to vector<10000x8xf32>
    %div3A_24 = arith.divf %div3A_23, %add3A_22 : vector<10000x8xf32>
    %get3A_25 = arith.constant 0 : index
    %get3A_26 = arith.constant 0 : index
    %get3A_27 = vector.load %arg2[%get3A_25, %get3A_26] : memref<8x128xf32, #tpu.memory_space<vmem>>, vector<8x128xf32>
    %dot_general3A = arith.constant dense<0.000000e+00> : vector<10000x128xf32>
    %dot_general3A_28 = tpu.matmul %div3A_24, %get3A_27, %dot_general3A {dimension_numbers = #tpu.dot_dimension_numbers<[1], [0], [0], [1], [0, 0, 1, 1], [], []>, transpose_lhs_hint = false} : vector<10000x8xf32>, vector<8x128xf32>, vector<10000x128xf32> -> vector<10000x128xf32>
    %mul3A = arith.mulf %add3A, %dot_general3A_28 : vector<10000x128xf32>
    %get3A_29 = arith.constant 0 : index
    %get3A_30 = arith.constant 0 : index
    %get3A_31 = vector.load %arg3[%get3A_29, %get3A_30] : memref<1x128xf32, #tpu.memory_space<vmem>>, vector<1x128xf32>
    %add3A_32 = vector.broadcast %get3A_31 : vector<1x128xf32> to vector<10000x128xf32>
    %add3A_33 = arith.addf %mul3A, %add3A_32 : vector<10000x128xf32>
    %get3A_34 = arith.constant 0 : index
    %get3A_35 = arith.constant 0 : index
    %get3A_36 = vector.load %arg4[%get3A_34, %get3A_35] : memref<128x128xf32, #tpu.memory_space<vmem>>, vector<128x128xf32>
    %dot_general3A_37 = arith.constant dense<0.000000e+00> : vector<10000x128xf32>
    %dot_general3A_38 = tpu.matmul %add3A_33, %get3A_36, %dot_general3A_37 {dimension_numbers = #tpu.dot_dimension_numbers<[1], [1], [0], [0], [0, 0, 1, 0], [], []>, transpose_lhs_hint = false} : vector<10000x128xf32>, vector<128x128xf32>, vector<10000x128xf32> -> vector<10000x128xf32>
    %get3A_39 = arith.constant 0 : index
    %get3A_40 = arith.constant 0 : index
    %get3A_41 = vector.load %arg5[%get3A_39, %get3A_40] : memref<1x128xf32, #tpu.memory_space<vmem>>, vector<1x128xf32>
    %add3A_42 = vector.broadcast %get3A_41 : vector<1x128xf32> to vector<10000x128xf32>
    %add3A_43 = arith.addf %dot_general3A_38, %add3A_42 : vector<10000x128xf32>
    %ge3A = arith.constant 0.000000e+00 : f32
    %ge3A_44 = vector.broadcast %ge3A : f32 to vector<10000x128xf32>
    %ge3A_45 = arith.cmpf oge, %add3A_43, %ge3A_44 : vector<10000x128xf32>
    %mul3A_46 = arith.constant 0.00999999977 : f32
    %mul3A_47 = vector.broadcast %mul3A_46 : f32 to vector<10000x128xf32>
    %mul3A_48 = arith.mulf %mul3A_47, %add3A_43 : vector<10000x128xf32>
    %select_n3A = arith.select %ge3A_45, %add3A_43, %mul3A_48 : vector<10000x128xi1>, vector<10000x128xf32>
    %reduce_max3A = arith.constant dense<0xFF800000> : vector<10000xf32>
    %reduce_max3A_49 = vector.multi_reduction <maximumf>, %select_n3A, %reduce_max3A [1] : vector<10000x128xf32> to vector<10000xf32>
    %broadcast_in_dim3A = vector.shape_cast %reduce_max3A_49 : vector<10000xf32> to vector<10000x1xf32>
    %sub3A = vector.broadcast %broadcast_in_dim3A : vector<10000x1xf32> to vector<10000x128xf32>
    %sub3A_50 = arith.subf %select_n3A, %sub3A : vector<10000x128xf32>
    %exp3A = math.exp %sub3A_50 : vector<10000x128xf32>
    %reduce_sum3A = arith.constant dense<0.000000e+00> : vector<10000xf32>
    %reduce_sum3A_51 = vector.multi_reduction <add>, %exp3A, %reduce_sum3A [1] : vector<10000x128xf32> to vector<10000xf32>
    %broadcast_in_dim3A_52 = vector.shape_cast %reduce_sum3A_51 : vector<10000xf32> to vector<10000x1xf32>
    %div3A_53 = vector.broadcast %broadcast_in_dim3A_52 : vector<10000x1xf32> to vector<10000x128xf32>
    %div3A_54 = arith.divf %exp3A, %div3A_53 : vector<10000x128xf32>
    %mul3A_55 = arith.mulf %add3A_33, %div3A_54 : vector<10000x128xf32>
    %ge3A_56 = arith.constant 0.000000e+00 : f32
    %ge3A_57 = vector.broadcast %ge3A_56 : f32 to vector<10000x128xf32>
    %ge3A_58 = arith.cmpf oge, %mul3A_55, %ge3A_57 : vector<10000x128xf32>
    %mul3A_59 = arith.constant 2.000000e-01 : f32
    %mul3A_60 = vector.broadcast %mul3A_59 : f32 to vector<10000x128xf32>
    %mul3A_61 = arith.mulf %mul3A_60, %mul3A_55 : vector<10000x128xf32>
    %select_n3A_62 = arith.select %ge3A_58, %mul3A_55, %mul3A_61 : vector<10000x128xi1>, vector<10000x128xf32>
    %get3A_63 = arith.constant 0 : index
    %get3A_64 = arith.constant 0 : index
    %get3A_65 = vector.load %arg4[%get3A_63, %get3A_64] : memref<128x128xf32, #tpu.memory_space<vmem>>, vector<128x128xf32>
    %dot_general3A_66 = arith.constant dense<0.000000e+00> : vector<10000x128xf32>
    %dot_general3A_67 = tpu.matmul %select_n3A_62, %get3A_65, %dot_general3A_66 {dimension_numbers = #tpu.dot_dimension_numbers<[1], [1], [0], [0], [0, 0, 1, 0], [], []>, transpose_lhs_hint = false} : vector<10000x128xf32>, vector<128x128xf32>, vector<10000x128xf32> -> vector<10000x128xf32>
    %get3A_68 = arith.constant 0 : index
    %get3A_69 = arith.constant 0 : index
    %get3A_70 = vector.load %arg5[%get3A_68, %get3A_69] : memref<1x128xf32, #tpu.memory_space<vmem>>, vector<1x128xf32>
    %add3A_71 = vector.broadcast %get3A_70 : vector<1x128xf32> to vector<10000x128xf32>
    %add3A_72 = arith.addf %dot_general3A_67, %add3A_71 : vector<10000x128xf32>
    %reduce_sum3A_73 = arith.constant dense<0.000000e+00> : vector<10000xf32>
    %reduce_sum3A_74 = vector.multi_reduction <add>, %add3A_72, %reduce_sum3A_73 [1] : vector<10000x128xf32> to vector<10000xf32>
    %broadcast_in_dim3A_75 = vector.shape_cast %reduce_sum3A_74 : vector<10000xf32> to vector<10000x1xf32>
    %div3A_76 = arith.constant 1.280000e+02 : f32
    %div3A_77 = vector.broadcast %div3A_76 : f32 to vector<10000x1xf32>
    %div3A_78 = arith.divf %broadcast_in_dim3A_75, %div3A_77 : vector<10000x1xf32>
    %sub3A_79 = vector.broadcast %div3A_78 : vector<10000x1xf32> to vector<10000x128xf32>
    %sub3A_80 = arith.subf %add3A_72, %sub3A_79 : vector<10000x128xf32>
    %integer_pow3A = arith.mulf %sub3A_80, %sub3A_80 : vector<10000x128xf32>
    %reduce_sum3A_81 = arith.constant dense<0.000000e+00> : vector<10000xf32>
    %reduce_sum3A_82 = vector.multi_reduction <add>, %integer_pow3A, %reduce_sum3A_81 [1] : vector<10000x128xf32> to vector<10000xf32>
    %broadcast_in_dim3A_83 = vector.shape_cast %reduce_sum3A_82 : vector<10000xf32> to vector<10000x1xf32>
    %div3A_84 = arith.constant 1.280000e+02 : f32
    %div3A_85 = vector.broadcast %div3A_84 : f32 to vector<10000x1xf32>
    %div3A_86 = arith.divf %broadcast_in_dim3A_83, %div3A_85 : vector<10000x1xf32>
    %sub3A_87 = vector.broadcast %div3A_78 : vector<10000x1xf32> to vector<10000x128xf32>
    %sub3A_88 = arith.subf %add3A_72, %sub3A_87 : vector<10000x128xf32>
    %add3A_89 = arith.constant 9.99999974E-6 : f32
    %add3A_90 = vector.broadcast %add3A_89 : f32 to vector<10000x1xf32>
    %add3A_91 = arith.addf %div3A_86, %add3A_90 : vector<10000x1xf32>
    %sqrt3A = math.sqrt %add3A_91 : vector<10000x1xf32>
    %div3A_92 = vector.broadcast %sqrt3A : vector<10000x1xf32> to vector<10000x128xf32>
    %div3A_93 = arith.divf %sub3A_88, %div3A_92 : vector<10000x128xf32>
    %get3A_94 = arith.constant 0 : index
    %get3A_95 = arith.constant 0 : index
    %get3A_96 = vector.load %arg6[%get3A_94, %get3A_95] : memref<1x128xf32, #tpu.memory_space<vmem>>, vector<1x128xf32>
    %mul3A_97 = vector.broadcast %get3A_96 : vector<1x128xf32> to vector<10000x128xf32>
    %mul3A_98 = arith.mulf %div3A_93, %mul3A_97 : vector<10000x128xf32>
    %get3A_99 = arith.constant 0 : index
    %get3A_100 = arith.constant 0 : index
    %get3A_101 = vector.load %arg7[%get3A_99, %get3A_100] : memref<1x128xf32, #tpu.memory_space<vmem>>, vector<1x128xf32>
    %add3A_102 = vector.broadcast %get3A_101 : vector<1x128xf32> to vector<10000x128xf32>
    %add3A_103 = arith.addf %mul3A_98, %add3A_102 : vector<10000x128xf32>
    %mul3A_104 = arith.mulf %add3A_103, %add3A_103 : vector<10000x128xf32>
    %reduce_sum3A_105 = arith.constant dense<0.000000e+00> : vector<10000xf32>
    %reduce_sum3A_106 = vector.multi_reduction <add>, %mul3A_104, %reduce_sum3A_105 [1] : vector<10000x128xf32> to vector<10000xf32>
    %broadcast_in_dim3A_107 = vector.shape_cast %reduce_sum3A_106 : vector<10000xf32> to vector<10000x1xf32>
    %sqrt3A_108 = math.sqrt %broadcast_in_dim3A_107 : vector<10000x1xf32>
    %max3A = arith.constant 9.99999996E-13 : f32
    %max3A_109 = vector.broadcast %max3A : f32 to vector<10000x1xf32>
    %max3A_110 = arith.maximumf %sqrt3A_108, %max3A_109 : vector<10000x1xf32>
    %div3A_111 = vector.broadcast %max3A_110 : vector<10000x1xf32> to vector<10000x128xf32>
    %div3A_112 = arith.divf %add3A_103, %div3A_111 : vector<10000x128xf32>
    %reduce_sum3A_113 = arith.constant dense<0.000000e+00> : vector<128xf32>
    %reduce_sum3A_114 = vector.multi_reduction <add>, %div3A_112, %reduce_sum3A_113 [0] : vector<10000x128xf32> to vector<128xf32>
    %broadcast_in_dim3A_115 = vector.shape_cast %reduce_sum3A_114 : vector<128xf32> to vector<1x128xf32>
    %div3A_116 = arith.constant 1.000000e+04 : f32
    %div3A_117 = vector.broadcast %div3A_116 : f32 to vector<1x128xf32>
    %div3A_118 = arith.divf %broadcast_in_dim3A_115, %div3A_117 : vector<1x128xf32>
    %get3A_119 = arith.constant 0 : index
    %get3A_120 = arith.constant 0 : index
    %get3A_121 = vector.load %arg8[%get3A_119, %get3A_120] : memref<128x128xf32, #tpu.memory_space<vmem>>, vector<128x128xf32>
    %dot_general3A_122 = arith.constant dense<0.000000e+00> : vector<1x128xf32>
    %dot_general3A_123 = tpu.matmul %div3A_118, %get3A_121, %dot_general3A_122 {dimension_numbers = #tpu.dot_dimension_numbers<[1], [1], [0], [0], [0, 0, 1, 0], [], []>, transpose_lhs_hint = false} : vector<1x128xf32>, vector<128x128xf32>, vector<1x128xf32> -> vector<1x128xf32>
    %get3A_124 = arith.constant 0 : index
    %get3A_125 = arith.constant 0 : index
    %get3A_126 = vector.load %arg9[%get3A_124, %get3A_125] : memref<1x128xf32, #tpu.memory_space<vmem>>, vector<1x128xf32>
    %add3A_127 = arith.addf %dot_general3A_123, %get3A_126 : vector<1x128xf32>
    %max3A_128 = arith.constant 0.000000e+00 : f32
    %max3A_129 = vector.broadcast %max3A_128 : f32 to vector<1x128xf32>
    %max3A_130 = arith.maximumf %add3A_127, %max3A_129 : vector<1x128xf32>
    %reduce_max3A_131 = arith.constant dense<0xFF800000> : vector<1xf32>
    %reduce_max3A_132 = vector.multi_reduction <maximumf>, %max3A_130, %reduce_max3A_131 [1] : vector<1x128xf32> to vector<1xf32>
    %broadcast_in_dim3A_133 = vector.shape_cast %reduce_max3A_132 : vector<1xf32> to vector<1x1xf32>
    %sub3A_134 = vector.broadcast %broadcast_in_dim3A_133 : vector<1x1xf32> to vector<1x128xf32>
    %sub3A_135 = arith.subf %max3A_130, %sub3A_134 : vector<1x128xf32>
    %exp3A_136 = math.exp %sub3A_135 : vector<1x128xf32>
    %reduce_sum3A_137 = arith.constant dense<0.000000e+00> : vector<1xf32>
    %reduce_sum3A_138 = vector.multi_reduction <add>, %exp3A_136, %reduce_sum3A_137 [1] : vector<1x128xf32> to vector<1xf32>
    %broadcast_in_dim3A_139 = vector.shape_cast %reduce_sum3A_138 : vector<1xf32> to vector<1x1xf32>
    %div3A_140 = vector.broadcast %broadcast_in_dim3A_139 : vector<1x1xf32> to vector<1x128xf32>
    %div3A_141 = arith.divf %exp3A_136, %div3A_140 : vector<1x128xf32>
    %mul3A_142 = vector.broadcast %div3A_141 : vector<1x128xf32> to vector<10000x128xf32>
    %mul3A_143 = arith.mulf %div3A_112, %mul3A_142 : vector<10000x128xf32>
    %swap3A = arith.constant 0 : index
    %swap3A_144 = arith.constant 0 : index
    %swap3A_145 = vector.load %arg10[%swap3A, %swap3A_144] : memref<10000x128xf32, #tpu.memory_space<vmem>>, vector<10000x128xf32>
    tpu.vector_store %arg10[%swap3A, %swap3A_144], %mul3A_143 {strides = array<i32>} : memref<10000x128xf32, #tpu.memory_space<vmem>>, vector<10000x128xf32>,
    return
  }
}

</mosaic_0001>

<sc_bundles>
// kernel: kernel.5.cloned.1.call-start
scs
__scs_entry_jumppad:
0x0: {  	(pc) =	sbr.rel $0x88, $3  }
0x1: {  	(tag) =	ssettag $0x0;
	lr =	simm.s32 $0x1  }
0x2: {  	[smem:$0x3F95] =	sst lr;
	_ =	strace $0xD0000000  }
0x3: {  	_ = 	snop  }
0x4: {  	_ = 	snop  }
0x5: {  	_ = 	snop  }
0x6: {  	_ = 	snop  }
0x7: {  	_ = 	snop  }
__scs_overlays_trampoline_lowered:
0x8: {  	[smem:$0x3FA4] =	sst s0  }
0x9: {  	[smem:$0x3FA5] =	sst s1  }
0xa: {  	[smem:$0x3FA6] =	sst s2  }
0xb: {  	[smem:$0x3FA7] =	sst s3  }
0xc: {  	[smem:$0x3FA8] =	sst s4  }
0xd: {  	[smem:$0x3FA9] =	sst s5  }
0xe: {  	[smem:$0x3FAA] =	sst s6  }
0xf: {  	[smem:$0x3FAB] =	sst s7  }
0x10: {  	[smem:$0x3FAC] =	sst s8  }
0x11: {  	[smem:$0x3FAD] =	sst s9;
	s0 =	simm.s32 @!p0 $0x0  }
0x12: {  	s1 =	sld [smem:$0x3F93];
	s0 =	simm.s32 @p0 $0x1  }
0x13: {  	[smem:$0x3FAE] =	sst s0;
	s0 =	simm.s32 @!p1 $0x0  }
0x14: {  	s2 =	sld [smem:$0x3F92];
	s0 =	simm.s32 @p1 $0x1  }
0x15: {  	[smem:$0x3FAF] =	sst s0;
	s0 =	simm.s32 @!p2 $0x0  }
0x16: {  	s3 =	sld [smem:$0x3FDB];
	s0 =	simm.s32 @p2 $0x1  }
0x17: {  	s4 =	simm.s32 $0x1BF5;
	[smem:$0x3FB1] =	sst s0  }
0x18: {  	s0 =	sld [smem:$0x3F94];
	_ =	swait.ge [sflag:s4], $0x0  }
0x19: {  	s7 =	sld [smem:$0x3F95]  }
0x1a: {  	s8 =	sadd.s32 $0xFFFFE003, lr  }
0x1b: {  	s9 =	sadd.s32 $0xFFFFFEF7, lr;
	s5 =	simm.s32 $0xFFFFFFFF;
	p2 =	slt.u32 s8, $0xFFFFF086  }
0x1c: {  	p1 =	slt.u32 s9, $0xF7A;
	s5 =	simm.s32 @!p2 $0x0  }
0x1d: {  	s5 =	simm.s32 @p1 $0x1;
	p0 =	seq.s32 s7, s2  }
0x1e: {  	s7 =	smul.u32 @!p0 $0xF7A, s2;
	p2 =	seq.s32 @!p0 s5, $0x0  }
0x1f: {  	s9 =	smul.u32 $0xF7A, s1;
	s8 =	simm.s32 @!p0 $0x1BF5;
	p2 =	por !p2, p0  }
0x20: {  	[sflag:s8] =	ssyncset.s32 @!p0 $0xFFFFF086;
	s6 =	sadd.s32 @!p0 s3, s7;
	s7 =	simm.s32 @!p0 $0x108  }
0x21: {  	s3 =	sadd.s32 s3, s9;
	s6 =	sadd.s32 @!p0 $0x88, s6;
	s7 =	simm.s32 @p2 $0x1082  }
0x22: {  	[simem:s7], [sflag:s8] =	dma.local @!p0 [hbm:s6], $0xF7A  }
0x23: {  	s9 =	sor.u32 $0xD0000000, s2;
	s6 =	simm.s32 $0x108;
	_ =	swait.ge @!p0 [sflag:s8], $0x0  }
0x24: {  	s3 =	sadd.s32 $0x88, s3;
	s6 =	simm.s32 @!p1 $0x1082;
	[sflag:s4] =	ssyncset.s32 $0xFFFFF086  }
0x25: {  	[simem:s6], [sflag:s4] =	dma.local [hbm:s3], $0xF7A  }
0x26: {  	[smem:$0x3F95] =	sst s1;
	(tag) =	ssettag s2;
	_ =	strace s9  }
0x27: {  	s1 =	sld [smem:$0x3FA5]  }
0x28: {  	s2 =	sld [smem:$0x3FA6]  }
0x29: {  	s4 =	sld [smem:$0x3FA8]  }
0x2a: {  	p0 =	seq.s32 s5, $0x0;
	s5 =	sld [smem:$0x3FA9]  }
0x2b: {  	s6 =	sld [smem:$0x3FAA]  }
0x2c: {  	s7 =	sld [smem:$0x3FAB]  }
0x2d: {  	s3 =	simm.s32 $0x108;
	s8 =	sld [smem:$0x3FAC]  }
0x2e: {  	s3 =	simm.s32 @!p0 $0x1082;
	s9 =	sld [smem:$0x3FAD]  }
0x2f: {  	lr =	sadd.s32 s0, s3;
	s0 =	sld [smem:$0x3FA4]  }
0x30: {  	s3 =	sld [smem:$0x3FA7]  }
0x31: {  	[smem:$0x3FB0] =	sst s10  }
0x32: {  	s10 =	sld [smem:$0x3FAE];
	_ =	sdelay $0x3  }
0x33: {  	p0 =	seq.s32 s10, $0x1;
	s10 =	sld [smem:$0x3FB0];
	_ =	sdelay $0x3  }
0x34: {  	[smem:$0x3FB0] =	sst s10  }
0x35: {  	s10 =	sld [smem:$0x3FAF];
	_ =	sdelay $0x3  }
0x36: {  	p1 =	seq.s32 s10, $0x1;
	s10 =	sld [smem:$0x3FB0];
	_ =	sdelay $0x3  }
0x37: {  	[smem:$0x3FB0] =	sst s10  }
0x38: {  	s10 =	sld [smem:$0x3FB1]  }
0x39: {  	_ = 	snop;
	(pc) =	sbr.ind lr, $3  }
0x3a: {  	_ = 	snop  }
0x3b: {  	_ = 	snop  }
0x3c: {  	p2 =	seq.s32 s10, $0x1;
	s10 =	sld [smem:$0x3FB0]  }
0x3d: {  	_ =	shalt  }
0x3e: {  	_ =	shalt  }
0x3f: {  	_ =	shalt  }
0x40: {  	_ =	shalt  }
0x41: {  	_ =	shalt  }
0x42: {  	_ =	shalt  }
0x43: {  	_ =	shalt  }
0x44: {  	_ =	shalt  }
0x45: {  	_ =	shalt  }
0x46: {  	_ =	shalt  }
0x47: {  	_ =	shalt  }
0x48: {  	_ =	shalt  }
0x49: {  	_ =	shalt  }
0x4a: {  	_ =	shalt  }
0x4b: {  	_ =	shalt  }
0x4c: {  	_ =	shalt  }
0x4d: {  	_ =	shalt  }
0x4e: {  	_ =	shalt  }
0x4f: {  	_ =	shalt  }
0x50: {  	_ =	shalt  }
0x51: {  	_ =	shalt  }
0x52: {  	_ =	shalt  }
0x53: {  	_ =	shalt  }
0x54: {  	_ =	shalt  }
0x55: {  	_ =	shalt  }
0x56: {  	_ =	shalt  }
0x57: {  	_ =	shalt  }
0x58: {  	_ =	shalt  }
0x59: {  	_ =	shalt  }
0x5a: {  	_ =	shalt  }
0x5b: {  	_ =	shalt  }
0x5c: {  	_ =	shalt  }
0x5d: {  	_ =	shalt  }
0x5e: {  	_ =	shalt  }
0x5f: {  	_ =	shalt  }
0x60: {  	_ =	shalt  }
0x61: {  	_ =	shalt  }
0x62: {  	_ =	shalt  }
0x63: {  	_ =	shalt  }
0x64: {  	_ =	shalt  }
0x65: {  	_ =	shalt  }
0x66: {  	_ =	shalt  }
0x67: {  	_ =	shalt  }
0x68: {  	_ =	shalt  }
0x69: {  	_ =	shalt  }
0x6a: {  	_ =	shalt  }
0x6b: {  	_ =	shalt  }
0x6c: {  	_ =	shalt  }
0x6d: {  	_ =	shalt  }
0x6e: {  	_ =	shalt  }
0x6f: {  	_ =	shalt  }
0x70: {  	_ =	shalt  }
0x71: {  	_ =	shalt  }
0x72: {  	_ =	shalt  }
0x73: {  	_ =	shalt  }
0x74: {  	_ =	shalt  }
0x75: {  	_ =	shalt  }
0x76: {  	_ =	shalt  }
0x77: {  	_ =	shalt  }
0x78: {  	_ =	shalt  }
0x79: {  	_ =	shalt  }
0x7a: {  	_ =	shalt  }
0x7b: {  	_ =	shalt  }
0x7c: {  	_ =	shalt  }
0x7d: {  	_ =	shalt  }
0x7e: {  	_ =	shalt  }
0x7f: {  	_ =	shalt  }
0x80: {  	_ =	shalt  }
0x81: {  	_ =	shalt  }
0x82: {  	_ =	shalt  }
0x83: {  	_ =	shalt  }
0x84: {  	_ =	shalt  }
0x85: {  	_ =	shalt  }
0x86: {  	_ =	shalt  }
0x87: {  	_ =	shalt  }
.Lfunc_end0:
.L_simem_size_0:
called_computation_lowered:
.L_overlay_start_0:
0x88: {  	s2 =	sld [smem:$0x3FD9]  }
0x89: {  	s3 =	sld [smem:$0x3FFE];
	_ =	sdelay $0x1  }
0x8a: {  	s1 =	srdreg.scid  }
0x8b: {  	s0 =	sand.u32 $0x1, s1  }
0x8c: {  	s17 =	sshll.u32 s0, $0xA;
	s2 =	sadd.s32 s3, s2  }
0x8d: {  	s2 =	sadd.s32 s2, s17  }
0x8e: {  	[smem:$0x3FBC] =	sst s2  }
0x8f: {  	_ = 	snop  }
0x90: {  	s2 =	sld [smem:$0x3FD0];
	(tm) =	ssettm $0x1  }
0x91: {  	s18 =	sld [smem:$0x3FFB];
	_ =	sdelay $0x3  }
0x92: {  	_ =	strace s18  }
0x93: {  	s3 =	sld [smem:$0x3FFC];
	_ =	sdelay $0x3  }
0x94: {  	_ =	strace s3  }
0x95: {  	s3 =	sld [smem:$0x3FFD];
	_ =	sdelay $0x3  }
0x96: {  	_ =	strace s3  }
0x97: {  	_ =	strace $0x8FFFFFFF  }
0x98: {  	s19 =	sld [smem:$0x3FDB];
	_ =	sdelay $0x1  }
0x99: {  	s4 =	simm.s32 $_scs_section_size  }
0x9a: {  	s5 =	simm.s32 $_size__tile_overlayer_lowered;
	s6 =	simm.s32 $_tile_overlayer_lowered  }
0x9b: {  	s22 =	simm.s32 $0x1BFF;
	s21 =	sshll.u32 s6, $0x1;
	s3 =	sadd.s32 s4, s19  }
0x9c: {  	s7 =	simm.s32 $0x0;
	s20 =	sshll.u32 s5, $0x1;
	s5 =	sadd.s32 s21, s3  }
0x9d: {  	[timem:s7], [sflag:s22] =	dma.local [hbm:s5], s20  }
0x9e: {  	_ =	swait.ge [sflag:s22], s20  }
0x9f: {  	s4 =	ssub.s32 $0x0, s20;
	[sflag:s22] =	ssyncset.done $0x0  }
0xa0: {  	[sflag:s22] =	ssyncadd.s32 s4;
	_ =	sdelay $0x1  }
0xa1: {  	s23 =	simm.s32 $0x1B8B  }
0xa2: {  	_ =	swait.ge [sflag:s23], $0x1  }
0xa3: {  	[sflag:s23] =	ssyncset.done $0x0  }
0xa4: {  	s25 =	simm.s32 $0x1B8E;
	s24 =	sld [smem:$0x3FFE];
	[sflag:s23] =	ssyncadd.s32 $0xFFFFFFFF  }
0xa5: {  	s26 =	simm.s32 $execute0_lowered;
	[smem:$0x3FD2] =	sst s25  }
0xa6: {  	s5 =	sshll.u32 s26, $0x1;
	_ =	strace $0x80000046;
	[dreg:$0x1] =	wrdreg $0xFFFFFFFF  }
0xa7: {  	s28 =	simm.s32 $_size_execute0_lowered;
	s3 =	sadd.s32 s3, s5;
	[dreg:$0x0] =	wrdreg $0x0  }
0xa8: {  	s5 =	sshll.u32 s28, $0x1;
	[dreg:$0x2] =	wrdreg s3  }
0xa9: {  	[dreg:$0x3] =	wrdreg s5  }
0xaa: {  	[dreg:$0x4] =	wrdreg $0xC0  }
0xab: {  	_ =	task [dreg:s7], $0x5FFFF  }
0xac: {  	[dreg:$0x1] =	wrdreg $0xFFFFFFFF  }
0xad: {  	[dreg:$0x0] =	wrdreg $0x60  }
0xae: {  	[dreg:$0x2] =	wrdreg s24  }
0xaf: {  	[dreg:$0x3] =	wrdreg s2  }
0xb0: {  	[dreg:$0x4] =	wrdreg $0x93100  }
0xb1: {  	[dreg:$0x5] =	wrdreg $0x1D3100  }
0xb2: {  	[dreg:$0x6] =	wrdreg $0x9  }
0xb3: {  	_ =	task.clear_ibuf [dreg:s7], $0x7FFFF;
	_ =	strace $0x90000046  }
0xb4: {  	s29 =	simm.s32 $0x9;
	_ =	strace $0x80000048  }
0xb5: {  	_ =	swait.ge [sflag:s29], $0x1  }
0xb6: {  	[sflag:s29] =	ssyncadd.s32 $0xFFFFFFFF  }
0xb7: {  	_ =	strace $0x90000048  }
0xb8: {  	_ =	sfence  }
0xb9: {  	s30 =	sld [smem:$0x0];
	_ =	sdelay $0x2  }
0xba: {  	s31 =	sshll.u32 s1, $0xD;
	s1 =	sshrl.u32 s1, $0x2  }
0xbb: {  	s3 =	sand.u32 $0x4000, s31;
	s1 =	sadd.s32 s1, s30  }
0xbc: {  	s0 =	sor.u32 s3, s0;
	s1 =	sshll.u32 s1, $0x11  }
0xbd: {  	s0 =	sor.u32 s1, s0  }
0xbe: {  	s0 =	sadd.s32 $0x8F2B, s0  }
0xbf: {  	[sflag:s0] =	ssyncadd.remote.s32 $0x1  }
0xc0: {  	_ =	sfence.sel $0xFFFF  }
0xc1: {  	[dreg:$0x0] =	wrdreg $0xFFFFFFFF;
	(pc) =	sbr.abs _section_cstart, $3  }
0xc2: {  	[dreg:$0x1] =	wrdreg $0xFFFFFFFF  }
0xc3: {  	_ =	task.clear_ibuf [dreg:s7], $0x2FFFF;
	_ =	strace $0x9FFFFFFF  }
0xc4: {  	(tm) =	ssettm $0x7FFFFFFF  }
0xc5: {  	_ =	shalt  }
tec
execute0_lowered:
.L_overlay_start_1:
0x0: {  	(tag) =	ssettag $0x1  }
0x1: {  	s0 =	rddreg [dreg:$0x0];
	s1 =	srdreg.scid  }
0x2: {  	s16 =	stileid.u32;
	s8 =	rddreg [dreg:$0x1]  }
0x3: {  	s2 =	rddreg [dreg:$0x2];
	s30 =	simm.s32 $0x6300;
	s31 =	simm.s32 $0x5D00  }
0x4: {  	s28 =	simm.s32 $0x5700;
	s29 =	simm.s32 $0x1;
	s10 =	smul.u32 $0x14000, s16  }
0x5: {  	s1 =	sand.u32 $0x1, s1;
	s3 =	sshll.u32 s16, $0x1;
	s12 =	smul.u32 $0x2800, s16  }
0x6: {  	s5 =	sadd.s32 $0x1A00, s0;
	s6 =	sadd.s32 $0x28E00, s0;
	s25 =	smul.u32 $0x280, s16  }
0x7: {  	s7 =	sadd.s32 $0x2DE00, s0;
	s14 =	sadd.s32 $0x28C00, s0;
	s11 =	smul.u32 $0x140000, s1  }
0x8: {  	s4 =	sor.u32 s1, s3;
	s3 =	rddreg [dreg:$0x3];
	s13 =	smul.u32 $0x28000, s1  }
0x9: {  	s1 =	ssub.s32 $0x2, s1;
	s9 =	smul.u32 $0x510, s4;
	s4 =	simm.s32 $0x0  }
0xa: {  	s24 =	sshrl.u32 s1, $0x1;
	s18 =	sadd.s32 $0x120, s25;
	s20 =	sadd.s32 $0x180, s25  }
0xb: {  	[smem:$0x7FF] =	sst s4;
	s11 =	sadd.s32 s10, s11;
	s13 =	sadd.s32 s12, s13  }
0xc: {  	s1 =	ssub.s32 s1, s24;
	s12 =	sadd.s32 s12, s3;
	s19 =	sshll.u32 s18, $0x7  }
0xd: {  	s21 =	sshll.u32 s18, $0x4;
	s24 =	sadd.s32 $0x1E0, s25;
	_ =	strace $0x80000047  }
0xe: {  	[dreg:$0x5] =	wrdreg s14;
	s22 =	sadd.s32 s9, s0;
	s11 =	sshrl.u32 s11, $0x3  }
0xf: {  	s23 =	sshrl.u32 s13, $0x3;
	s8 =	sadd.s32 s8, s9;
	s9 =	sor.u32 $0x60, s25  }
0x10: {  	s14 =	sadd.s32 $0xC0, s25;
	s25 =	sshll.u32 s20, $0x4;
	s15 =	sadd.s32 s11, s0  }
0x11: {  	s0 =	sadd.s32 s23, s0;
	[dreg:$0x6] =	wrdreg s8;
	s26 =	sadd.s32 $0x32E00, s22  }
0x12: {  	s11 =	sadd.s32 s10, s2;
	s10 =	sshll.u32 s9, $0x7;
	s8 =	sshll.u32 s9, $0x4  }
0x13: {  	s16 =	sshll.u32 s14, $0x7;
	[dreg:$0x7] =	wrdreg s26;
	s9 =	sadd.s32 s10, s2  }
0x14: {  	s22 =	sshll.u32 s20, $0x7;
	s8 =	sadd.s32 s8, s3;
	[dreg:$0x8] =	wrdreg s9  }
0x15: {  	s17 =	sshll.u32 s14, $0x4;
	s23 =	sadd.s32 s22, s2;
	[dreg:$0x9] =	wrdreg s8  }
0x16: {  	s26 =	sshll.u32 s24, $0x7;
	s8 =	sadd.s32 s16, s2;
	[dreg:$0xe] =	wrdreg s23  }
0x17: {  	s10 =	simm.s32 $0x0;
	s9 =	sadd.s32 s25, s3;
	[dreg:$0xa] =	wrdreg s8  }
0x18: {  	s23 =	sadd.s32 $0x47000, s15;
	s8 =	sadd.s32 s17, s3;
	[dreg:$0xf] =	wrdreg s9  }
0x19: {  	s25 =	smax.u32 s1, $0x1;
	[dreg:$0xb] =	wrdreg s8;
	s8 =	sadd.s32 s19, s2  }
0x1a: {  	s1 =	simm.s32 $0x60;
	s9 =	simm.s32 $0x3;
	[dreg:$0xc] =	wrdreg s8  }
0x1b: {  	s8 =	sadd.s32 s21, s3;
	s21 =	sadd.s32 s26, s2;
	s26 =	simm.s32 $0x4  }
0x1c: {  	[dreg:$0xd] =	wrdreg s8;
	s8 =	sshll.u32 s24, $0x4;
	s24 =	sadd.s32 $0x3D000, s0  }
0x1d: {  	v0 =	vimm.f32 $0.0e+00;
	s0 =	simm.s32 $0x5100;
	s22 =	sadd.s32 s8, s3;
	s8 =	simm.s32 $0x2  }
.LBB2_1:
0x1e: {  	s13 =	rddreg [dreg:$0x6]  }
0x1f: {  	[tilespmem:s4], [sflag:$0x4] =	stream.linear.gather [hbm4b:s13+s4], $0x2880, $0x38;
	[tilespmem:$0x1FB10] =	vst v63  }
0x20: {  	_ =	swait.ge [sflag:s26], $0x2880  }
0x21: {  	[sflag:s26] =	ssyncset.done $0x0  }
0x22: {  	s14 =	simm.s32 $0x2880;
	s18 =	rddreg [dreg:$0x7];
	[sflag:s26] =	ssyncadd.s32 $0xFFFFD780  }
0x23: {  	[tilespmem:s14], [sflag:$0x4] =	stream.linear.gather [hbm4b:s18+s4], $0x2880, $0x38;
	[tilespmem:$0x1FB10] =	vst v63  }
0x24: {  	_ =	swait.ge [sflag:s26], $0x2880  }
0x25: {  	[sflag:s26] =	ssyncset.done $0x0  }
0x26: {  	s20 =	simm.s32 $0x9300;
	s19 =	rddreg [dreg:$0x5];
	[sflag:s26] =	ssyncadd.s32 $0xFFFFD780  }
0x27: {  	[tilespmem:s20], [sflag:$0x4] =	stream.linear.gather [hbm4b:s19+s4], $0x10, $0x38;
	[tilespmem:$0x1FB10] =	vst v63  }
0x28: {  	_ =	swait.ge [sflag:s26], $0x10  }
0x29: {  	[sflag:s26] =	ssyncset.done $0x0  }
0x2a: {  	s13 =	simm.s32 $0x6340;
	[sflag:s26] =	ssyncadd.s32 $0xFFFFFFF0  }
0x2b: {  	[tilespmem:s13+$0xFFFFFFD0] =	vst v0  }
0x2c: {  	[tilespmem:s13+$0xFFFFFFE0] =	vst v0  }
0x2d: {  	[tilespmem:s13+$0xFFFFFFF0] =	vst v0  }
0x2e: {  	[tilespmem:s13+$0x0] =	vst v0  }
0x2f: {  	[tilespmem:s13+$0x10] =	vst v0  }
0x30: {  	[tilespmem:s13+$0x20] =	vst v0  }
0x31: {  	[tilespmem:s13+$0x30] =	vst v0  }
0x32: {  	s15 =	simm.s32 $0x0;
	s14 =	simm.s32 $0x40;
	[tilespmem:s13+$0xFFFFFFC0] =	vst v0  }
.LBB2_2:
0x33: {  	p0 =	sne.s32 s14, $0x17C0;
	[tilespmem:s15+$0x5D00] =	vst v0;
	s13 =	sadd.s32 $0x80, s13  }
0x34: {  	[tilespmem:s13+$0xFFFFFFD0] =	vst v0  }
0x35: {  	[tilespmem:s13+$0xFFFFFFE0] =	vst v0  }
0x36: {  	[tilespmem:s13+$0xFFFFFFF0] =	vst v0  }
.Ltmp0:
0x37: {  	[tilespmem:s13+$0x0] =	vst v0;
	(pc) =	sbr.rel @p0 .LBB2_2-.Ltmp0, $4  }
0x38: {  	[tilespmem:s13+$0x10] =	vst v0  }
0x39: {  	[tilespmem:s13+$0x20] =	vst v0  }
0x3a: {  	[tilespmem:s13+$0x30] =	vst v0  }
0x3b: {  	s15 =	sshra.s32 s14, $0x2;
	s14 =	sadd.s32 $0x40, s14;
	[tilespmem:s13+$0xFFFFFFC0] =	vst v0  }
0x3c: {  	[tilespmem:s15+$0x5D00] =	vst v0  }
0x3d: {  	[spmem:s11] =	stream.linear.scatter [tilespmem:s30], [sflag:$0x4], $0x3000, $0x38;
	[tilespmem:$0x1FB10] =	vst v63  }
0x3e: {  	_ =	swait.ge [sflag:s26], $0x3000  }
0x3f: {  	[sflag:s26] =	ssyncset.done $0x0  }
0x40: {  	[sflag:s26] =	ssyncadd.s32 $0xFFFFD000  }
0x41: {  	[spmem:s12] =	stream.linear.scatter [tilespmem:s31], [sflag:$0x4], $0x600, $0x38;
	[tilespmem:$0x1FB10] =	vst v63  }
0x42: {  	_ =	swait.ge [sflag:s26], $0x600  }
0x43: {  	[sflag:s26] =	ssyncset.done $0x0  }
0x44: {  	s13 =	rddreg [dreg:$0x8];
	[sflag:s26] =	ssyncadd.s32 $0xFFFFFA00  }
0x45: {  	[spmem:s13] =	stream.linear.scatter [tilespmem:s30], [sflag:$0x4], $0x3000, $0x38;
	[tilespmem:$0x1FB10] =	vst v63  }
0x46: {  	_ =	swait.ge [sflag:s26], $0x3000  }
0x47: {  	[sflag:s26] =	ssyncset.done $0x0  }
0x48: {  	s14 =	rddreg [dreg:$0x9];
	[sflag:s26] =	ssyncadd.s32 $0xFFFFD000  }
0x49: {  	[spmem:s14] =	stream.linear.scatter [tilespmem:s31], [sflag:$0x4], $0x600, $0x38;
	[tilespmem:$0x1FB10] =	vst v63  }
0x4a: {  	_ =	swait.ge [sflag:s26], $0x600  }
0x4b: {  	[sflag:s26] =	ssyncset.done $0x0  }
0x4c: {  	s15 =	rddreg [dreg:$0xa];
	[sflag:s26] =	ssyncadd.s32 $0xFFFFFA00  }
0x4d: {  	[spmem:s15] =	stream.linear.scatter [tilespmem:s30], [sflag:$0x4], $0x3000, $0x38;
	[tilespmem:$0x1FB10] =	vst v63  }
0x4e: {  	_ =	swait.ge [sflag:s26], $0x3000  }
0x4f: {  	[sflag:s26] =	ssyncset.done $0x0  }
0x50: {  	s16 =	rddreg [dreg:$0xb];
	[sflag:s26] =	ssyncadd.s32 $0xFFFFD000  }
0x51: {  	[spmem:s16] =	stream.linear.scatter [tilespmem:s31], [sflag:$0x4], $0x600, $0x38;
	[tilespmem:$0x1FB10] =	vst v63  }
0x52: {  	_ =	swait.ge [sflag:s26], $0x600  }
0x53: {  	[sflag:s26] =	ssyncset.done $0x0  }
0x54: {  	s17 =	rddreg [dreg:$0xc];
	[sflag:s26] =	ssyncadd.s32 $0xFFFFFA00  }
0x55: {  	[spmem:s17] =	stream.linear.scatter [tilespmem:s30], [sflag:$0x4], $0x3000, $0x38;
	[tilespmem:$0x1FB10] =	vst v63  }
0x56: {  	_ =	swait.ge [sflag:s26], $0x3000  }
0x57: {  	[sflag:s26] =	ssyncset.done $0x0  }
0x58: {  	s18 =	rddreg [dreg:$0xd];
	[sflag:s26] =	ssyncadd.s32 $0xFFFFD000  }
0x59: {  	[spmem:s18] =	stream.linear.scatter [tilespmem:s31], [sflag:$0x4], $0x600, $0x38;
	[tilespmem:$0x1FB10] =	vst v63  }
0x5a: {  	_ =	swait.ge [sflag:s26], $0x600  }
0x5b: {  	[sflag:s26] =	ssyncset.done $0x0  }
0x5c: {  	s19 =	rddreg [dreg:$0xe];
	[sflag:s26] =	ssyncadd.s32 $0xFFFFFA00  }
0x5d: {  	[spmem:s19] =	stream.linear.scatter [tilespmem:s30], [sflag:$0x4], $0x3000, $0x38;
	[tilespmem:$0x1FB10] =	vst v63  }
0x5e: {  	_ =	swait.ge [sflag:s26], $0x3000  }
0x5f: {  	[sflag:s26] =	ssyncset.done $0x0  }
0x60: {  	s20 =	rddreg [dreg:$0xf];
	[sflag:s26] =	ssyncadd.s32 $0xFFFFD000  }
0x61: {  	[spmem:s20] =	stream.linear.scatter [tilespmem:s31], [sflag:$0x4], $0x600, $0x38;
	[tilespmem:$0x1FB10] =	vst v63  }
0x62: {  	_ =	swait.ge [sflag:s26], $0x600  }
0x63: {  	[sflag:s26] =	ssyncset.done $0x0  }
0x64: {  	[sflag:s26] =	ssyncadd.s32 $0xFFFFFA00  }
0x65: {  	[spmem:s21] =	stream.linear.scatter [tilespmem:s30], [sflag:$0x4], $0x3000, $0x38;
	[tilespmem:$0x1FB10] =	vst v63  }
0x66: {  	_ =	swait.ge [sflag:s26], $0x3000  }
0x67: {  	[sflag:s26] =	ssyncset.done $0x0  }
0x68: {  	[sflag:s26] =	ssyncadd.s32 $0xFFFFD000  }
0x69: {  	[spmem:s22] =	stream.linear.scatter [tilespmem:s31], [sflag:$0x4], $0x600, $0x38;
	[tilespmem:$0x1FB10] =	vst v63  }
0x6a: {  	_ =	swait.ge [sflag:s26], $0x600  }
0x6b: {  	[sflag:s26] =	ssyncset.done $0x0  }
0x6c: {  	[sflag:s26] =	ssyncadd.s32 $0xFFFFFA00  }
0x6d: {  	[bflag:$0x0] =	sbarrier.arrive $0xFFFF  }
0x6e: {  	v1 =	vld [tilespmem:$0x9300];
	_ =	sdelay $0x3  }
0x6f: {  	s13 =	simm.s32 $0x0  }
.LBB2_4:
0x70: {  	s15 =	smul.u32 $0x60, s13;
	_ =	sdelay $0x1  }
0x71: {  	[tilespmem:s0], [sflag:$0x1] =	stream.indirect.gather [hbm4b:s6+s1], $0x10, s15, s1, $0xb8;
	[tilespmem:$0x1FB10] =	vst v63  }
0x72: {  	s14 =	sadd.s32 $0x2880, s15  }
0x73: {  	[tilespmem:s28], [sflag:$0x2] =	stream.indirect.gather [hbm4b:s7+s1], $0x10, s14, s1, $0xb8;
	[tilespmem:$0x1FB10] =	vst v63  }
0x74: {  	_ = 	snop  }
0x75: {  	[tilespmem:s30], [sflag:$0x3] =	stream.indirect.gather [hbm4b:s5+s1], $0x80, s15, s1, $0xb8;
	[tilespmem:$0x1FB10] =	vst v63  }
0x76: {  	_ =	swait.ge [sflag:s29], $0x600  }
0x77: {  	[sflag:s29] =	ssyncset.done $0x0  }
0x78: {  	[sflag:s29] =	ssyncadd.s32 $0xFFFFFA00  }
0x79: {  	_ =	swait.ge [sflag:s8], $0x600  }
0x7a: {  	[sflag:s8] =	ssyncset.done $0x0  }
0x7b: {  	s15 =	simm.s32 $0x0;
	[sflag:s8] =	ssyncadd.s32 $0xFFFFFA00  }
0x7c: {  	v2 =	vld [tilespmem:s15+$0x5100]  }
0x7d: {  	v3 =	vld [tilespmem:s15+$0x5700];
	_ =	sdelay $0x1  }
0x7e: {  	s16 =	simm.s32 $0x10  }
0x7f: {  	v4 =	vld [tilespmem:s16+$0x5100]  }
0x80: {  	v5 =	vld [tilespmem:s16+$0x5700]  }
0x81: {  	v2 =	vadd.f32 v3, v2;
	_ =	sdelay $0x1  }
0x82: {  	v6 =	vmul.f32 $2.000000030e-01, v2  }
0x83: {  	vm0 =	vge.f32 v2, $0.0e+00  }
0x84: {  	v4 =	vadd.f32 v5, v4;
	v2 =	vsel vm0, v2, v6  }
0x85: {  	s17 =	simm.s32 $0x20;
	v2 =	vsub.f32 v2, v1  }
0x86: {  	v3 =	vld [tilespmem:s17+$0x5100];
	v7 =	vmul.f32 $2.000000030e-01, v4  }
0x87: {  	v5 =	vld [tilespmem:s17+$0x5700];
	vm14 =	vge.f32 v4, $0.0e+00;
	v2 =	vmul.f32 $1.442695020e+00, v2  }
0x88: {  	v4 =	vsel vm14, v4, v7  }
0x89: {  	v4 =	vsub.f32 v4, v1;
	(erf) = vpow2.f32 v2;
	_ =	sdelay $0x1  }
0x8a: {  	s18 =	simm.s32 $0x30;
	v4 =	vmul.f32 $1.442695020e+00, v4  }
0x8b: {  	v5 =	vadd.f32 v5, v3;
	v3 =	vld [tilespmem:s18+$0x5700]  }
0x8c: {  	v2 =	vld [tilespmem:s18+$0x5100];
	(erf) = vpow2.f32 v4  }
0x8d: {  	v6 =	vmul.f32 $2.000000030e-01, v5  }
0x8e: {  	vm15 =	vge.f32 v5, $0.0e+00  }
0x8f: {  	s19 =	simm.s32 $0x100;
	v4 =	vsel vm15, v5, v6  }
.LBB2_5:
0x90: {  	s20 =	sshra.s32 s19, $0x2;
	v4 =	vsub.f32 v4, v1;
	p0 =	sne.s32 s19, $0x17C0  }
.Ltmp1:
0x91: {  	s19 =	sadd.s32 $0x40, s19;
	v5 =	vadd.f32 v3, v2;
	v2 =	vld [tilespmem:s20+$0x5100];
	v6 =	vpop (erf);
	(pc) =	sbr.rel @p0 .LBB2_5-.Ltmp1, $4  }
0x92: {  	v3 =	vld [tilespmem:s20+$0x5700];
	v4 =	vmul.f32 $1.442695020e+00, v4;
	[tilespmem:s15+$0x5D00] =	vst v6;
	s15 =	smov.u32 s16;
	s16 =	smov.u32 s17;
	s17 =	smov.u32 s18  }
0x93: {  	s18 =	smov.u32 s20;
	v6 =	vmul.f32 $2.000000030e-01, v5  }
0x94: {  	vm0 =	vge.f32 v5, $0.0e+00;
	(erf) = vpow2.f32 v4  }
0x95: {  	v4 =	vsel vm0, v5, v6  }
0x96: {  	_ = 	snop  }
0x97: {  	v2 =	vadd.f32 v3, v2;
	_ =	sdelay $0x1  }
0x98: {  	v3 =	vmul.f32 $2.000000030e-01, v2  }
0x99: {  	vm0 =	vge.f32 v2, $0.0e+00  }
0x9a: {  	v4 =	vsub.f32 v4, v1;
	v2 =	vsel vm0, v2, v3  }
0x9b: {  	v2 =	vsub.f32 v2, v1  }
0x9c: {  	v3 =	vmul.f32 $1.442695020e+00, v4  }
0x9d: {  	v2 =	vmul.f32 $1.442695020e+00, v2  }
0x9e: {  	(erf) = vpow2.f32 v3  }
0x9f: {  	(erf) = vpow2.f32 v2;
	_ =	sdelay $0x5  }
0xa0: {  	v2 =	vpop (erf)  }
0xa1: {  	v3 =	vpop (erf);
	[tilespmem:s15+$0x5D00] =	vst v2  }
0xa2: {  	[tilespmem:s16+$0x5D00] =	vst v3;
	v2 =	vpop (erf)  }
0xa3: {  	[tilespmem:s17+$0x5D00] =	vst v2;
	v2 =	vpop (erf)  }
0xa4: {  	[tilespmem:s18+$0x5D00] =	vst v2  }
0xa5: {  	[spmem:s3] =	stream.indirect.scatter.add.f32 [tilespmem:s31], [sflag:$0x4], $0x10, s14, s1, $0xb8;
	[tilespmem:$0x1FB10] =	vst v63  }
0xa6: {  	_ =	swait.ge [sflag:s26], $0x600  }
0xa7: {  	[sflag:s26] =	ssyncset.done $0x0  }
0xa8: {  	[sflag:s26] =	ssyncadd.s32 $0xFFFFFA00  }
0xa9: {  	_ =	swait.ge [sflag:s9], $0x3000  }
0xaa: {  	[sflag:s9] =	ssyncset.done $0x0  }
0xab: {  	s15 =	simm.s32 $0x6340;
	[sflag:s9] =	ssyncadd.s32 $0xFFFFD000  }
0xac: {  	s16 =	simm.s32 $0x6340;
	s17 =	simm.s32 $0x40;
	s18 =	simm.s32 $0x0;
	v2 =	vld [tilespmem:s15+$0xFFFFFFF0]  }
.LBB2_7:
0xad: {  	p0 =	sne.s32 s17, $0x17C0;
	v3 =	vld [tilespmem:s18+$0x5D00]  }
0xae: {  	v4 =	vld [tilespmem:s15+$0xFFFFFFD0]  }
0xaf: {  	v5 =	vld [tilespmem:s15+$0xFFFFFFC0]  }
0xb0: {  	v6 =	vld [tilespmem:s15+$0xFFFFFFE0]  }
0xb1: {  	v7 =	vld [tilespmem:s15+$0x30]  }
0xb2: {  	v8 =	vbroadcast v3, $0x0;
	v9 =	vbroadcast v3, $0x1;
	v10 =	vld [tilespmem:s15+$0x10]  }
0xb3: {  	v11 =	vbroadcast v3, $0x2;
	v12 =	vbroadcast v3, $0x3;
	v13 =	vld [tilespmem:s15+$0x0]  }
0xb4: {  	v5 =	vmul.f32 v8, v5;
	v4 =	vmul.f32 v4, v9;
	v8 =	vld [tilespmem:s15+$0x20]  }
0xb5: {  	v2 =	vmul.f32 v2, v12;
	v6 =	vmul.f32 v6, v11  }
0xb6: {  	v9 =	vbroadcast v3, $0x5;
	[tilespmem:s15+$0xFFFFFFC0] =	vst v5;
	v5 =	vbroadcast v3, $0x4  }
0xb7: {  	[tilespmem:s15+$0xFFFFFFD0] =	vst v4;
	v4 =	vbroadcast v3, $0x6;
	v3 =	vbroadcast v3, $0x7  }
0xb8: {  	[tilespmem:s15+$0xFFFFFFE0] =	vst v6;
	v5 =	vmul.f32 v13, v5;
	v6 =	vmul.f32 v10, v9  }
.Ltmp2:
0xb9: {  	[tilespmem:s15+$0xFFFFFFF0] =	vst v2;
	v2 =	vmul.f32 v8, v4;
	v3 =	vmul.f32 v7, v3;
	(pc) =	sbr.rel @p0 .LBB2_7-.Ltmp2, $4  }
0xba: {  	[tilespmem:s15+$0x0] =	vst v5  }
0xbb: {  	[tilespmem:s15+$0x10] =	vst v6  }
0xbc: {  	s15 =	sadd.s32 $0x80, s15;
	[tilespmem:s16+$0x20] =	vst v2  }
0xbd: {  	s18 =	sshra.s32 s17, $0x2;
	s17 =	sadd.s32 $0x40, s17;
	v2 =	vld [tilespmem:s15+$0xFFFFFFF0];
	[tilespmem:s16+$0x30] =	vst v3;
	s16 =	smov.u32 s15  }
0xbe: {  	v3 =	vld [tilespmem:s18+$0x5D00];
	_ =	sdelay $0x1  }
0xbf: {  	v4 =	vld [tilespmem:s15+$0xFFFFFFC0]  }
0xc0: {  	v5 =	vld [tilespmem:s15+$0xFFFFFFD0]  }
0xc1: {  	v6 =	vld [tilespmem:s15+$0xFFFFFFE0]  }
0xc2: {  	v7 =	vbroadcast v3, $0x0  }
0xc3: {  	v10 =	vld [tilespmem:s15+$0x10];
	v8 =	vbroadcast v3, $0x1  }
0xc4: {  	v9 =	vld [tilespmem:s15+$0x0];
	v11 =	vbroadcast v3, $0x2;
	v4 =	vmul.f32 v7, v4  }
0xc5: {  	v59 =	vld [tilespmem:s15+$0x20];
	v58 =	vbroadcast v3, $0x3;
	v5 =	vmul.f32 v5, v8  }
0xc6: {  	v12 =	vld [tilespmem:s15+$0x30];
	v61 =	vbroadcast v3, $0x5;
	v6 =	vmul.f32 v6, v11;
	[tilespmem:s15+$0xFFFFFFC0] =	vst v4  }
0xc7: {  	v60 =	vbroadcast v3, $0x4;
	v2 =	vmul.f32 v2, v58;
	[tilespmem:s15+$0xFFFFFFD0] =	vst v5  }
0xc8: {  	v62 =	vbroadcast v3, $0x6;
	v63 =	vmul.f32 v10, v61;
	[tilespmem:s15+$0xFFFFFFE0] =	vst v6  }
0xc9: {  	v3 =	vbroadcast v3, $0x7;
	v4 =	vmul.f32 v9, v60;
	[tilespmem:s15+$0xFFFFFFF0] =	vst v2  }
0xca: {  	v2 =	vmul.f32 v59, v62;
	[tilespmem:s15+$0x10] =	vst v63  }
0xcb: {  	s13 =	sadd.s32 $0x1, s13;
	v3 =	vmul.f32 v12, v3;
	[tilespmem:s15+$0x0] =	vst v4  }
0xcc: {  	p0 =	sne.s32 s13, $0x6C;
	[tilespmem:s16+$0x20] =	vst v2  }
.Ltmp3:
0xcd: {  	[tilespmem:s16+$0x30] =	vst v3;
	(pc) =	sbr.rel @p0 .LBB2_4-.Ltmp3, $4  }
0xce: {  	[spmem:s2] =	stream.indirect.scatter.add.f32 [tilespmem:s30], [sflag:$0x4], $0x80, s14, s1, $0xb8;
	[tilespmem:$0x1FB10] =	vst v63  }
0xcf: {  	_ =	swait.ge [sflag:s26], $0x3000  }
0xd0: {  	[sflag:s26] =	ssyncset.done $0x0  }
0xd1: {  	[sflag:s26] =	ssyncadd.s32 $0xFFFFD000  }
0xd2: {  	s13 =	stileid.u32  }
0xd3: {  	s13 =	sshll.u32 s13, $0x6  }
0xd4: {  	[bflag:$0x0] =	sbarrier.arrive $0xFFFF;
	s14 =	sshrl.u32 s11, $0x3;
	s13 =	sor.u32 $0x1C04, s13  }
0xd5: {  	[hbm:s23], [sflag:s13] =	dma.local [spmem:s14], $0x2800  }
0xd6: {  	s10 =	sadd.s32 $0x1, s10;
	_ =	swait.ge [sflag:s26], $0x2800  }
0xd7: {  	p0 =	sne.s32 s10, s25;
	[sflag:s26] =	ssyncset.done $0x0  }
.Ltmp4:
0xd8: {  	s20 =	sshrl.u32 s12, $0x3;
	[sflag:s26] =	ssyncadd.s32 $0xFFFFD800;
	(pc) =	sbr.rel @p0 .LBB2_1-.Ltmp4, $4  }
0xd9: {  	[hbm:s24], [sflag:s13] =	dma.local [spmem:s20], $0x500  }
0xda: {  	_ =	swait.ge [sflag:s26], $0x500  }
0xdb: {  	[sflag:s26] =	ssyncset.done $0x0  }
0xdc: {  	[sflag:s26] =	ssyncadd.s32 $0xFFFFFB00  }
0xdd: {  	_ =	sfence.sel $0x180000  }
0xde: {  	[bflag:$0x0] =	sbarrier.arrive $0xFFFF  }
0xdf: {  	_ =	strace $0x90000047  }
0xe0: {  	s0 =	stileid.u32;
	[bflag:$0x2] =	sbarrier.arrive $0xFFFF  }
0xe1: {  	p0 =	sne.s32 s0, $0x0;
	s0 =	rddreg [dreg:$0x4]  }
0xe2: {  	s0 =	sadd.s32 @!p0 $0x100000, s0  }
0xe3: {  	[sflag:s0] =	ssyncadd.tile.s32 @!p0 $0x1;
	_ =	shalt  }
.Lfunc_end2:
_tile_overlayer_lowered:
.L_overlay_start_2:
0xe4: {  	(tag) =	ssettag $0x2  }
0xe5: {  	s0 =	rddreg [dreg:$0x0];
	s2 =	stileid.u32  }
0xe6: {  	s1 =	rddreg [dreg:$0x1];
	p0 =	sne.s32 s2, $0x0  }
0xe7: {  	s3 =	rddreg [dreg:$0x2];
	[bflag:$0x3] =	sbarrier.arrive $0xFFFF;
	s2 =	simm.s32 @!p0 $0x1C04  }
0xe8: {  	[timem:s3], [sflag:s2] =	dma.local @!p0 [hbm:s0], s1  }
0xe9: {  	s0 =	simm.s32 @!p0 $0x4  }
0xea: {  	_ =	swait.ge @!p0 [sflag:s0], s1  }
0xeb: {  	s1 =	ssub.s32 @!p0 $0x0, s1;
	[sflag:s0] =	ssyncset.done @!p0 $0x0  }
0xec: {  	[sflag:s0] =	ssyncadd.s32 @!p0 s1  }
0xed: {  	[bflag:$0x3] =	sbarrier.arrive $0xFFFF  }
0xee: {  	_ =	shalt  }

</sc_bundles>
